<compile_context>
chip_gen: v7x
topology: tpu7x:2x2x1
jax: 0.10.2.dev20260603
libtpu: 0.0.44.dev20260713+nightly
codegen_flags: <defaults>
</compile_context>

<pallas_src>
import functools
import jax
import jax.numpy as jnp
from jax import lax
from jax.experimental import pallas as pl
from jax.experimental.pallas import tpu as pltpu
from jax.experimental.pallas import tpu_sc as plsc

EMBED = 128
BATCH = 16384
NSPLIT = 4
PART = BATCH // NSPLIT

_info = plsc.get_sparse_core_info()
_NC, _NS = _info.num_cores, _info.num_subcores
_NW = _NC * _NS
_CHUNK = 128
_B_PER_W = PART // _NW
_NCHUNK = _B_PER_W // _CHUNK
_NCHUNK_TOT = 2 * _NCHUNK
_NBUF = _NCHUNK_TOT


@functools.partial(
    pl.kernel,
    out_type=[
        jax.ShapeDtypeStruct((PART, EMBED), jnp.float32),
        jax.ShapeDtypeStruct((PART, EMBED), jnp.float32),
    ],
    scratch_types=(
        [pltpu.VMEM((_NCHUNK_TOT, _CHUNK), jnp.int32)]
        + [pltpu.VMEM((_CHUNK, EMBED), jnp.float32) for _ in range(_NBUF)]
        + [pltpu.SemaphoreType.DMA for _ in range(2 * _NBUF)]
    ),
    mesh=plsc.VectorSubcoreMesh(core_axis_name="c", subcore_axis_name="s"),
)
def _sc_gather(mana_idx, type_idx, mana_tab, type_tab, out1, out2,
               idx_v, *bufs_and_sems):
    bufs = bufs_and_sems[:_NBUF]
    gsem = bufs_and_sems[_NBUF:2 * _NBUF]
    ssem = bufs_and_sems[2 * _NBUF:]
    wid = lax.axis_index("s") * _NC + lax.axis_index("c")
    base = wid * _B_PER_W

    pltpu.sync_copy(mana_idx.at[pl.ds(wid * _NCHUNK, _NCHUNK)],
                    idx_v.at[pl.ds(0, _NCHUNK)])
    pltpu.sync_copy(type_idx.at[pl.ds(wid * _NCHUNK, _NCHUNK)],
                    idx_v.at[pl.ds(_NCHUNK, _NCHUNK)])

    def tab_of(c):
        return mana_tab if c < _NCHUNK else type_tab

    def out_of(c):
        return out1 if c < _NCHUNK else out2

    def off_of(c):
        return base + (c % _NCHUNK) * _CHUNK

    gd = [None] * _NCHUNK_TOT
    sd = [None] * _NCHUNK_TOT
    for c in range(_NCHUNK_TOT):
        gd[c] = pltpu.async_copy(tab_of(c).at[idx_v.at[c]], bufs[c], gsem[c])
    for c in range(_NCHUNK_TOT):
        gd[c].wait()
        sd[c] = pltpu.async_copy(bufs[c], out_of(c).at[pl.ds(off_of(c), _CHUNK)],
                                 ssem[c])
    for c in range(_NCHUNK_TOT):
        sd[c].wait()


_TM = 4096
_PBLOCKS = max(PART // _TM, 1)
_TMP = min(_TM, PART)


def _mm_body(g1_ref, g2_ref, w_ref, b_ref, o_ref):
    w1 = w_ref[:EMBED, :]
    w2 = w_ref[EMBED:, :]
    acc = jnp.dot(g1_ref[...], w1, preferred_element_type=jnp.float32)
    acc += jnp.dot(g2_ref[...], w2, preferred_element_type=jnp.float32)
    o_ref[...] = acc + b_ref[...]


def _mm_body_alias(g1_ref, g2_ref, w_ref, b_ref, prev_ref, o_ref):
    del prev_ref
    _mm_body(g1_ref, g2_ref, w_ref, b_ref, o_ref)


def _tc_matmul(s, g1, g2, W, b2d, prev):
    blk0 = s * (PART // _TMP)
    common = dict(
        grid=(_PBLOCKS,),
        out_specs=pl.BlockSpec((_TMP, EMBED), lambda i: (blk0 + i, 0)),
        out_shape=jax.ShapeDtypeStruct((BATCH, EMBED), jnp.float32),
    )
    in_specs = [
        pl.BlockSpec((_TMP, EMBED), lambda i: (i, 0)),
        pl.BlockSpec((_TMP, EMBED), lambda i: (i, 0)),
        pl.BlockSpec((2 * EMBED, EMBED), lambda i: (0, 0)),
        pl.BlockSpec((1, EMBED), lambda i: (0, 0)),
    ]
    if s == 0:
        return pl.pallas_call(_mm_body, in_specs=in_specs, **common)(
            g1, g2, W, b2d)
    return pl.pallas_call(
        _mm_body_alias,
        in_specs=in_specs + [pl.BlockSpec(memory_space=pl.ANY)],
        input_output_aliases={4: 0},
        **common,
    )(g1, g2, W, b2d, prev)


@jax.jit
def kernel(mana_token, type_token, mana_table, type_table, W, b):
    mt = mana_token.astype(jnp.int32).reshape(BATCH // _CHUNK, _CHUNK)
    tt = type_token.astype(jnp.int32).reshape(BATCH // _CHUNK, _CHUNK)
    nr = PART // _CHUNK
    b2d = b.reshape(1, EMBED)

    gs = [_sc_gather(mt[s * nr:(s + 1) * nr], tt[s * nr:(s + 1) * nr],
                     mana_table, type_table)
          for s in range(NSPLIT)]
    o = None
    for s in range(NSPLIT):
        g1s, g2s = gs[s]
        o = _tc_matmul(s, g1s, g2s, W, b2d, o)
    return o

# --- scband reference (transcript-rebuilt; emitter-appended) ---
"""Pipeline reference for scband-combined-embedding-21792664060648 (READ-ONLY COPY).

The authoritative reference and input builder live on the scoring server;
editing this copy changes nothing except your own understanding.
"""

import jax, jax.numpy as jnp
import numpy as np

EMBED_DIM = 128
MANA_VOCAB = 100000
TYPE_VOCAB = 100000
BATCH = 16384

def setup_inputs(seed: int = 0) -> dict:
    key = jax.random.key(seed)
    k1, k2, k3, k4, k5, k6 = jax.random.split(key, 6)
    mana_token = jax.random.randint(k1, (BATCH,), 0, MANA_VOCAB, dtype=jnp.int64 if jax.config.jax_enable_x64 else jnp.int32)
    type_token = jax.random.randint(k2, (BATCH,), 0, TYPE_VOCAB, dtype=jnp.int64 if jax.config.jax_enable_x64 else jnp.int32)
    mana_table = jax.random.normal(k3, (MANA_VOCAB, EMBED_DIM), dtype=jnp.float32)
    type_table = jax.random.normal(k4, (TYPE_VOCAB, EMBED_DIM), dtype=jnp.float32)
    W = jax.random.normal(k5, (2 * EMBED_DIM, EMBED_DIM), dtype=jnp.float32) * (1.0 / np.sqrt(2 * EMBED_DIM))
    b = jax.random.normal(k6, (EMBED_DIM,), dtype=jnp.float32) * 0.01
    return {"mana_token": mana_token, "type_token": type_token, "mana_table": mana_table, "type_table": type_table, "W": W, "b": b}

def reference(mana_token, type_token, mana_table, type_table, W, b):
    mana_emb = jnp.take(mana_table, mana_token, axis=0)
    type_emb = jnp.take(type_table, type_token, axis=0)
    combined = jnp.concatenate([mana_emb, type_emb], axis=1)
    return combined @ W + b

if __name__ == "__main__":
    import jax
    _d = setup_inputs()
    print(jax.jit(kernel)(*tuple(_d.values())))

</pallas_src>

<mosaic_0001>
#map = affine_map<(d0, d1) -> (0, 0)>
module attributes {stable_mosaic.version = 14 : i64} {
  func.func @_sc_gather(%arg0: i32, %arg1: i32, %arg2: memref<32x128xi32, #tpu.memory_space<hbm>>, %arg3: memref<32x128xi32, #tpu.memory_space<hbm>>, %arg4: memref<100000x128xf32, #tpu.memory_space<hbm>>, %arg5: memref<100000x128xf32, #tpu.memory_space<hbm>>, %arg6: memref<4096x128xf32, #tpu.memory_space<hbm>>, %arg7: memref<4096x128xf32, #tpu.memory_space<hbm>>, %arg8: memref<2x128xi32, #tpu.memory_space<vmem>>, %arg9: memref<128x128xf32, #tpu.memory_space<vmem>>, %arg10: memref<128x128xf32, #tpu.memory_space<vmem>>, %arg11: memref<!tpu.dma_semaphore, #tpu.memory_space<semaphore_mem>>, %arg12: memref<!tpu.dma_semaphore, #tpu.memory_space<semaphore_mem>>, %arg13: memref<!tpu.dma_semaphore, #tpu.memory_space<semaphore_mem>>, %arg14: memref<!tpu.dma_semaphore, #tpu.memory_space<semaphore_mem>>) attributes {dimension_semantics = [#tpu.dimension_semantics<core_parallel>, #tpu.dimension_semantics<subcore_parallel>], iteration_bounds = array<i64: 2, 16>, scalar_prefetch = 0 : i64, scratch_operands = 7 : i64, tpu.core_type = #tpu.core_type<sc_vector_subcore>, window_params = [{transform_indices = #map}, {transform_indices = #map}, {transform_indices = #map}, {transform_indices = #map}, {transform_indices = #map}, {transform_indices = #map}]} {
    %mul3A = arith.constant 2 : i32
    %mul3A_0 = arith.muli %arg1, %mul3A : i32
    %add3A = arith.addi %mul3A_0, %arg0 : i32
    %mul3A_1 = arith.constant 128 : i32
    %mul3A_2 = arith.muli %add3A, %mul3A_1 : i32
    %mul3A_3 = arith.constant 1 : i32
    %mul3A_4 = arith.muli %add3A, %mul3A_3 : i32
    "tpu.region"() ({
      %run_scoped3A = tpu.sem_alloc : memref<!tpu.dma_semaphore, #tpu.memory_space<semaphore_mem>>
      %dma_start3A_53 = arith.constant 0 : i32
      %dma_start3A_54 = arith.constant 0 : i32
      %dma_start3A_55 = tpu.memref_slice %arg8[%dma_start3A_53, %dma_start3A_54] : memref<2x128xi32, #tpu.memory_space<vmem>> -> memref<1x128xi32, #tpu.memory_space<vmem>>
      %dma_start3A_56 = arith.constant 0 : i32
      %dma_start3A_57 = tpu.memref_slice %arg2[%mul3A_4, %dma_start3A_56] : memref<32x128xi32, #tpu.memory_space<hbm>> -> memref<1x128xi32, #tpu.memory_space<hbm>>
      %dma_start3A_58 = arith.constant 0 : i32
      %dma_start3A_59 = arith.constant 0 : i32
      %dma_start3A_60 = tpu.memref_slice %arg8[%dma_start3A_58, %dma_start3A_59] : memref<2x128xi32, #tpu.memory_space<vmem>> -> memref<1x128xi32, #tpu.memory_space<vmem>>
      %dma_start3A_61 = arith.constant 0 : i32
      %dma_start3A_62 = tpu.memref_slice %arg2[%mul3A_4, %dma_start3A_61] : memref<32x128xi32, #tpu.memory_space<hbm>> -> memref<1x128xi32, #tpu.memory_space<hbm>>
      tpu.enqueue_dma source(%dma_start3A_62 : memref<1x128xi32, #tpu.memory_space<hbm>>) target(%dma_start3A_60 : memref<1x128xi32, #tpu.memory_space<vmem>>) target_semaphore(%run_scoped3A : memref<!tpu.dma_semaphore, #tpu.memory_space<semaphore_mem>>)
      %dma_wait3A_63 = arith.constant 0 : i32
      %dma_wait3A_64 = arith.constant 0 : i32
      %dma_wait3A_65 = tpu.memref_slice %arg8[%dma_wait3A_63, %dma_wait3A_64] : memref<2x128xi32, #tpu.memory_space<vmem>> -> memref<1x128xi32, #tpu.memory_space<vmem>>
      %dma_wait3A_66 = arith.constant 0 : i32
      %dma_wait3A_67 = tpu.memref_slice %arg2[%mul3A_4, %dma_wait3A_66] : memref<32x128xi32, #tpu.memory_space<hbm>> -> memref<1x128xi32, #tpu.memory_space<hbm>>
      %dma_wait3A_68 = arith.constant 0 : i32
      %dma_wait3A_69 = arith.constant 0 : i32
      %dma_wait3A_70 = tpu.memref_slice %arg8[%dma_wait3A_68, %dma_wait3A_69] : memref<2x128xi32, #tpu.memory_space<vmem>> -> memref<1x128xi32, #tpu.memory_space<vmem>>
      %dma_wait3A_71 = arith.constant 0 : i32
      %dma_wait3A_72 = tpu.memref_slice %arg2[%mul3A_4, %dma_wait3A_71] : memref<32x128xi32, #tpu.memory_space<hbm>> -> memref<1x128xi32, #tpu.memory_space<hbm>>
      tpu.wait_dma2 semaphore(%run_scoped3A : memref<!tpu.dma_semaphore, #tpu.memory_space<semaphore_mem>>) src(%dma_wait3A_72 : memref<1x128xi32, #tpu.memory_space<hbm>>) dst(%dma_wait3A_70 : memref<1x128xi32, #tpu.memory_space<vmem>>)
      tpu.yield
    }) : () -> ()
    %mul3A_5 = arith.constant 1 : i32
    %mul3A_6 = arith.muli %add3A, %mul3A_5 : i32
    "tpu.region"() ({
      %run_scoped3A = tpu.sem_alloc : memref<!tpu.dma_semaphore, #tpu.memory_space<semaphore_mem>>
      %dma_start3A_53 = arith.constant 1 : i32
      %dma_start3A_54 = arith.constant 0 : i32
      %dma_start3A_55 = tpu.memref_slice %arg8[%dma_start3A_53, %dma_start3A_54] : memref<2x128xi32, #tpu.memory_space<vmem>> -> memref<1x128xi32, #tpu.memory_space<vmem>>
      %dma_start3A_56 = arith.constant 0 : i32
      %dma_start3A_57 = tpu.memref_slice %arg3[%mul3A_6, %dma_start3A_56] : memref<32x128xi32, #tpu.memory_space<hbm>> -> memref<1x128xi32, #tpu.memory_space<hbm>>
      %dma_start3A_58 = arith.constant 1 : i32
      %dma_start3A_59 = arith.constant 0 : i32
      %dma_start3A_60 = tpu.memref_slice %arg8[%dma_start3A_58, %dma_start3A_59] : memref<2x128xi32, #tpu.memory_space<vmem>> -> memref<1x128xi32, #tpu.memory_space<vmem>>
      %dma_start3A_61 = arith.constant 0 : i32
      %dma_start3A_62 = tpu.memref_slice %arg3[%mul3A_6, %dma_start3A_61] : memref<32x128xi32, #tpu.memory_space<hbm>> -> memref<1x128xi32, #tpu.memory_space<hbm>>
      tpu.enqueue_dma source(%dma_start3A_62 : memref<1x128xi32, #tpu.memory_space<hbm>>) target(%dma_start3A_60 : memref<1x128xi32, #tpu.memory_space<vmem>>) target_semaphore(%run_scoped3A : memref<!tpu.dma_semaphore, #tpu.memory_space<semaphore_mem>>)
      %dma_wait3A_63 = arith.constant 1 : i32
      %dma_wait3A_64 = arith.constant 0 : i32
      %dma_wait3A_65 = tpu.memref_slice %arg8[%dma_wait3A_63, %dma_wait3A_64] : memref<2x128xi32, #tpu.memory_space<vmem>> -> memref<1x128xi32, #tpu.memory_space<vmem>>
      %dma_wait3A_66 = arith.constant 0 : i32
      %dma_wait3A_67 = tpu.memref_slice %arg3[%mul3A_6, %dma_wait3A_66] : memref<32x128xi32, #tpu.memory_space<hbm>> -> memref<1x128xi32, #tpu.memory_space<hbm>>
      %dma_wait3A_68 = arith.constant 1 : i32
      %dma_wait3A_69 = arith.constant 0 : i32
      %dma_wait3A_70 = tpu.memref_slice %arg8[%dma_wait3A_68, %dma_wait3A_69] : memref<2x128xi32, #tpu.memory_space<vmem>> -> memref<1x128xi32, #tpu.memory_space<vmem>>
      %dma_wait3A_71 = arith.constant 0 : i32
      %dma_wait3A_72 = tpu.memref_slice %arg3[%mul3A_6, %dma_wait3A_71] : memref<32x128xi32, #tpu.memory_space<hbm>> -> memref<1x128xi32, #tpu.memory_space<hbm>>
      tpu.wait_dma2 semaphore(%run_scoped3A : memref<!tpu.dma_semaphore, #tpu.memory_space<semaphore_mem>>) src(%dma_wait3A_72 : memref<1x128xi32, #tpu.memory_space<hbm>>) dst(%dma_wait3A_70 : memref<1x128xi32, #tpu.memory_space<vmem>>)
      tpu.yield
    }) : () -> ()
    %dma_start3A = arith.constant 0 : i32
    %dma_start3A_7 = arith.constant 0 : i32
    %dma_start3A_8 = tpu.memref_slice %arg8[%dma_start3A, %dma_start3A_7] : memref<2x128xi32, #tpu.memory_space<vmem>> -> memref<1x128xi32, #tpu.memory_space<vmem>>
    %dma_start3A_9 = tpu.memref_squeeze %dma_start3A_8 : memref<1x128xi32, #tpu.memory_space<vmem>> -> memref<128xi32, #tpu.memory_space<vmem>>
    %dma_start3A_10 = arith.constant 0 : i32
    %dma_start3A_11 = arith.constant 0 : i32
    %dma_start3A_12 = tpu.memref_slice %arg4[%dma_start3A_10, %dma_start3A_11] : memref<100000x128xf32, #tpu.memory_space<hbm>> -> memref<100000x128xf32, #tpu.memory_space<hbm>>
    tpu.enqueue_indirect_dma source(%dma_start3A_12 : memref<100000x128xf32, #tpu.memory_space<hbm>>) target(%arg9 : memref<128x128xf32, #tpu.memory_space<vmem>>) offsets(%dma_start3A_9 : memref<128xi32, #tpu.memory_space<vmem>>) semaphore(%arg11 : memref<!tpu.dma_semaphore, #tpu.memory_space<semaphore_mem>>)
    %dma_start3A_13 = arith.constant 1 : i32
    %dma_start3A_14 = arith.constant 0 : i32
    %dma_start3A_15 = tpu.memref_slice %arg8[%dma_start3A_13, %dma_start3A_14] : memref<2x128xi32, #tpu.memory_space<vmem>> -> memref<1x128xi32, #tpu.memory_space<vmem>>
    %dma_start3A_16 = tpu.memref_squeeze %dma_start3A_15 : memref<1x128xi32, #tpu.memory_space<vmem>> -> memref<128xi32, #tpu.memory_space<vmem>>
    %dma_start3A_17 = arith.constant 0 : i32
    %dma_start3A_18 = arith.constant 0 : i32
    %dma_start3A_19 = tpu.memref_slice %arg5[%dma_start3A_17, %dma_start3A_18] : memref<100000x128xf32, #tpu.memory_space<hbm>> -> memref<100000x128xf32, #tpu.memory_space<hbm>>
    tpu.enqueue_indirect_dma source(%dma_start3A_19 : memref<100000x128xf32, #tpu.memory_space<hbm>>) target(%arg10 : memref<128x128xf32, #tpu.memory_space<vmem>>) offsets(%dma_start3A_16 : memref<128xi32, #tpu.memory_space<vmem>>) semaphore(%arg12 : memref<!tpu.dma_semaphore, #tpu.memory_space<semaphore_mem>>)
    %dma_wait3A = arith.constant 0 : i32
    %dma_wait3A_20 = arith.constant 0 : i32
    %dma_wait3A_21 = tpu.memref_slice %arg8[%dma_wait3A, %dma_wait3A_20] : memref<2x128xi32, #tpu.memory_space<vmem>> -> memref<1x128xi32, #tpu.memory_space<vmem>>
    %dma_wait3A_22 = tpu.memref_squeeze %dma_wait3A_21 : memref<1x128xi32, #tpu.memory_space<vmem>> -> memref<128xi32, #tpu.memory_space<vmem>>
    %dma_wait3A_23 = arith.constant 0 : i32
    %dma_wait3A_24 = arith.constant 0 : i32
    %dma_wait3A_25 = tpu.memref_slice %arg4[%dma_wait3A_23, %dma_wait3A_24] : memref<100000x128xf32, #tpu.memory_space<hbm>> -> memref<100000x128xf32, #tpu.memory_space<hbm>>
    tpu.wait_indirect_dma semaphore(%arg11 : memref<!tpu.dma_semaphore, #tpu.memory_space<semaphore_mem>>) src(%dma_wait3A_25 : memref<100000x128xf32, #tpu.memory_space<hbm>>) dst(%arg9 : memref<128x128xf32, #tpu.memory_space<vmem>>)
    %add3A_26 = arith.constant 0 : i32
    %add3A_27 = arith.addi %mul3A_2, %add3A_26 : i32
    %dma_start3A_28 = arith.constant 0 : i32
    %dma_start3A_29 = tpu.memref_slice %arg6[%add3A_27, %dma_start3A_28] : memref<4096x128xf32, #tpu.memory_space<hbm>> -> memref<128x128xf32, #tpu.memory_space<hbm>>
    %dma_start3A_30 = arith.constant 0 : i32
    %dma_start3A_31 = tpu.memref_slice %arg6[%add3A_27, %dma_start3A_30] : memref<4096x128xf32, #tpu.memory_space<hbm>> -> memref<128x128xf32, #tpu.memory_space<hbm>>
    tpu.enqueue_dma source(%arg9 : memref<128x128xf32, #tpu.memory_space<vmem>>) target(%dma_start3A_31 : memref<128x128xf32, #tpu.memory_space<hbm>>) target_semaphore(%arg13 : memref<!tpu.dma_semaphore, #tpu.memory_space<semaphore_mem>>)
    %dma_wait3A_32 = arith.constant 1 : i32
    %dma_wait3A_33 = arith.constant 0 : i32
    %dma_wait3A_34 = tpu.memref_slice %arg8[%dma_wait3A_32, %dma_wait3A_33] : memref<2x128xi32, #tpu.memory_space<vmem>> -> memref<1x128xi32, #tpu.memory_space<vmem>>
    %dma_wait3A_35 = tpu.memref_squeeze %dma_wait3A_34 : memref<1x128xi32, #tpu.memory_space<vmem>> -> memref<128xi32, #tpu.memory_space<vmem>>
    %dma_wait3A_36 = arith.constant 0 : i32
    %dma_wait3A_37 = arith.constant 0 : i32
    %dma_wait3A_38 = tpu.memref_slice %arg5[%dma_wait3A_36, %dma_wait3A_37] : memref<100000x128xf32, #tpu.memory_space<hbm>> -> memref<100000x128xf32, #tpu.memory_space<hbm>>
    tpu.wait_indirect_dma semaphore(%arg12 : memref<!tpu.dma_semaphore, #tpu.memory_space<semaphore_mem>>) src(%dma_wait3A_38 : memref<100000x128xf32, #tpu.memory_space<hbm>>) dst(%arg10 : memref<128x128xf32, #tpu.memory_space<vmem>>)
    %add3A_39 = arith.constant 0 : i32
    %add3A_40 = arith.addi %mul3A_2, %add3A_39 : i32
    %dma_start3A_41 = arith.constant 0 : i32
    %dma_start3A_42 = tpu.memref_slice %arg7[%add3A_40, %dma_start3A_41] : memref<4096x128xf32, #tpu.memory_space<hbm>> -> memref<128x128xf32, #tpu.memory_space<hbm>>
    %dma_start3A_43 = arith.constant 0 : i32
    %dma_start3A_44 = tpu.memref_slice %arg7[%add3A_40, %dma_start3A_43] : memref<4096x128xf32, #tpu.memory_space<hbm>> -> memref<128x128xf32, #tpu.memory_space<hbm>>
    tpu.enqueue_dma source(%arg10 : memref<128x128xf32, #tpu.memory_space<vmem>>) target(%dma_start3A_44 : memref<128x128xf32, #tpu.memory_space<hbm>>) target_semaphore(%arg14 : memref<!tpu.dma_semaphore, #tpu.memory_space<semaphore_mem>>)
    %dma_wait3A_45 = arith.constant 0 : i32
    %dma_wait3A_46 = tpu.memref_slice %arg6[%add3A_27, %dma_wait3A_45] : memref<4096x128xf32, #tpu.memory_space<hbm>> -> memref<128x128xf32, #tpu.memory_space<hbm>>
    %dma_wait3A_47 = arith.constant 0 : i32
    %dma_wait3A_48 = tpu.memref_slice %arg6[%add3A_27, %dma_wait3A_47] : memref<4096x128xf32, #tpu.memory_space<hbm>> -> memref<128x128xf32, #tpu.memory_space<hbm>>
    tpu.wait_dma2 semaphore(%arg13 : memref<!tpu.dma_semaphore, #tpu.memory_space<semaphore_mem>>) src(%arg9 : memref<128x128xf32, #tpu.memory_space<vmem>>) dst(%dma_wait3A_48 : memref<128x128xf32, #tpu.memory_space<hbm>>)
    %dma_wait3A_49 = arith.constant 0 : i32
    %dma_wait3A_50 = tpu.memref_slice %arg7[%add3A_40, %dma_wait3A_49] : memref<4096x128xf32, #tpu.memory_space<hbm>> -> memref<128x128xf32, #tpu.memory_space<hbm>>
    %dma_wait3A_51 = arith.constant 0 : i32
    %dma_wait3A_52 = tpu.memref_slice %arg7[%add3A_40, %dma_wait3A_51] : memref<4096x128xf32, #tpu.memory_space<hbm>> -> memref<128x128xf32, #tpu.memory_space<hbm>>
    tpu.wait_dma2 semaphore(%arg14 : memref<!tpu.dma_semaphore, #tpu.memory_space<semaphore_mem>>) src(%arg10 : memref<128x128xf32, #tpu.memory_space<vmem>>) dst(%dma_wait3A_52 : memref<128x128xf32, #tpu.memory_space<hbm>>)
    return
  }
}

#map = affine_map<(d0, d1) -> (0, 0)>
module attributes {stable_mosaic.version = 14 : i64} {
  func.func @_sc_gather(%arg0: i32, %arg1: i32, %arg2: memref<32x128xi32, #tpu.memory_space<hbm>>, %arg3: memref<32x128xi32, #tpu.memory_space<hbm>>, %arg4: memref<100000x128xf32, #tpu.memory_space<hbm>>, %arg5: memref<100000x128xf32, #tpu.memory_space<hbm>>, %arg6: memref<4096x128xf32, #tpu.memory_space<hbm>>, %arg7: memref<4096x128xf32, #tpu.memory_space<hbm>>, %arg8: memref<2x128xi32, #tpu.memory_space<vmem>>, %arg9: memref<128x128xf32, #tpu.memory_space<vmem>>, %arg10: memref<128x128xf32, #tpu.memory_space<vmem>>, %arg11: memref<!tpu.dma_semaphore, #tpu.memory_space<semaphore_mem>>, %arg12: memref<!tpu.dma_semaphore, #tpu.memory_space<semaphore_mem>>, %arg13: memref<!tpu.dma_semaphore, #tpu.memory_space<semaphore_mem>>, %arg14: memref<!tpu.dma_semaphore, #tpu.memory_space<semaphore_mem>>) attributes {dimension_semantics = [#tpu.dimension_semantics<core_parallel>, #tpu.dimension_semantics<subcore_parallel>], iteration_bounds = array<i64: 2, 16>, scalar_prefetch = 0 : i64, scratch_operands = 7 : i64, tpu.core_type = #tpu.core_type<sc_vector_subcore>, window_params = [{transform_indices = #map}, {transform_indices = #map}, {transform_indices = #map}, {transform_indices = #map}, {transform_indices = #map}, {transform_indices = #map}]} {
    %mul3A = arith.constant 2 : i32
    %mul3A_0 = arith.muli %arg1, %mul3A : i32
    %add3A = arith.addi %mul3A_0, %arg0 : i32
    %mul3A_1 = arith.constant 128 : i32
    %mul3A_2 = arith.muli %add3A, %mul3A_1 : i32
    %mul3A_3 = arith.constant 1 : i32
    %mul3A_4 = arith.muli %add3A, %mul3A_3 : i32
    "tpu.region"() ({
      %run_scoped3A = tpu.sem_alloc : memref<!tpu.dma_semaphore, #tpu.memory_space<semaphore_mem>>
      %dma_start3A_53 = arith.constant 0 : i32
      %dma_start3A_54 = arith.constant 0 : i32
      %dma_start3A_55 = tpu.memref_slice %arg8[%dma_start3A_53, %dma_start3A_54] : memref<2x128xi32, #tpu.memory_space<vmem>> -> memref<1x128xi32, #tpu.memory_space<vmem>>
      %dma_start3A_56 = arith.constant 0 : i32
      %dma_start3A_57 = tpu.memref_slice %arg2[%mul3A_4, %dma_start3A_56] : memref<32x128xi32, #tpu.memory_space<hbm>> -> memref<1x128xi32, #tpu.memory_space<hbm>>
      %dma_start3A_58 = arith.constant 0 : i32
      %dma_start3A_59 = arith.constant 0 : i32
      %dma_start3A_60 = tpu.memref_slice %arg8[%dma_start3A_58, %dma_start3A_59] : memref<2x128xi32, #tpu.memory_space<vmem>> -> memref<1x128xi32, #tpu.memory_space<vmem>>
      %dma_start3A_61 = arith.constant 0 : i32
      %dma_start3A_62 = tpu.memref_slice %arg2[%mul3A_4, %dma_start3A_61] : memref<32x128xi32, #tpu.memory_space<hbm>> -> memref<1x128xi32, #tpu.memory_space<hbm>>
      tpu.enqueue_dma source(%dma_start3A_62 : memref<1x128xi32, #tpu.memory_space<hbm>>) target(%dma_start3A_60 : memref<1x128xi32, #tpu.memory_space<vmem>>) target_semaphore(%run_scoped3A : memref<!tpu.dma_semaphore, #tpu.memory_space<semaphore_mem>>)
      %dma_wait3A_63 = arith.constant 0 : i32
      %dma_wait3A_64 = arith.constant 0 : i32
      %dma_wait3A_65 = tpu.memref_slice %arg8[%dma_wait3A_63, %dma_wait3A_64] : memref<2x128xi32, #tpu.memory_space<vmem>> -> memref<1x128xi32, #tpu.memory_space<vmem>>
      %dma_wait3A_66 = arith.constant 0 : i32
      %dma_wait3A_67 = tpu.memref_slice %arg2[%mul3A_4, %dma_wait3A_66] : memref<32x128xi32, #tpu.memory_space<hbm>> -> memref<1x128xi32, #tpu.memory_space<hbm>>
      %dma_wait3A_68 = arith.constant 0 : i32
      %dma_wait3A_69 = arith.constant 0 : i32
      %dma_wait3A_70 = tpu.memref_slice %arg8[%dma_wait3A_68, %dma_wait3A_69] : memref<2x128xi32, #tpu.memory_space<vmem>> -> memref<1x128xi32, #tpu.memory_space<vmem>>
      %dma_wait3A_71 = arith.constant 0 : i32
      %dma_wait3A_72 = tpu.memref_slice %arg2[%mul3A_4, %dma_wait3A_71] : memref<32x128xi32, #tpu.memory_space<hbm>> -> memref<1x128xi32, #tpu.memory_space<hbm>>
      tpu.wait_dma2 semaphore(%run_scoped3A : memref<!tpu.dma_semaphore, #tpu.memory_space<semaphore_mem>>) src(%dma_wait3A_72 : memref<1x128xi32, #tpu.memory_space<hbm>>) dst(%dma_wait3A_70 : memref<1x128xi32, #tpu.memory_space<vmem>>)
      tpu.yield
    }) : () -> ()
    %mul3A_5 = arith.constant 1 : i32
    %mul3A_6 = arith.muli %add3A, %mul3A_5 : i32
    "tpu.region"() ({
      %run_scoped3A = tpu.sem_alloc : memref<!tpu.dma_semaphore, #tpu.memory_space<semaphore_mem>>
      %dma_start3A_53 = arith.constant 1 : i32
      %dma_start3A_54 = arith.constant 0 : i32
      %dma_start3A_55 = tpu.memref_slice %arg8[%dma_start3A_53, %dma_start3A_54] : memref<2x128xi32, #tpu.memory_space<vmem>> -> memref<1x128xi32, #tpu.memory_space<vmem>>
      %dma_start3A_56 = arith.constant 0 : i32
      %dma_start3A_57 = tpu.memref_slice %arg3[%mul3A_6, %dma_start3A_56] : memref<32x128xi32, #tpu.memory_space<hbm>> -> memref<1x128xi32, #tpu.memory_space<hbm>>
      %dma_start3A_58 = arith.constant 1 : i32
      %dma_start3A_59 = arith.constant 0 : i32
      %dma_start3A_60 = tpu.memref_slice %arg8[%dma_start3A_58, %dma_start3A_59] : memref<2x128xi32, #tpu.memory_space<vmem>> -> memref<1x128xi32, #tpu.memory_space<vmem>>
      %dma_start3A_61 = arith.constant 0 : i32
      %dma_start3A_62 = tpu.memref_slice %arg3[%mul3A_6, %dma_start3A_61] : memref<32x128xi32, #tpu.memory_space<hbm>> -> memref<1x128xi32, #tpu.memory_space<hbm>>
      tpu.enqueue_dma source(%dma_start3A_62 : memref<1x128xi32, #tpu.memory_space<hbm>>) target(%dma_start3A_60 : memref<1x128xi32, #tpu.memory_space<vmem>>) target_semaphore(%run_scoped3A : memref<!tpu.dma_semaphore, #tpu.memory_space<semaphore_mem>>)
      %dma_wait3A_63 = arith.constant 1 : i32
      %dma_wait3A_64 = arith.constant 0 : i32
      %dma_wait3A_65 = tpu.memref_slice %arg8[%dma_wait3A_63, %dma_wait3A_64] : memref<2x128xi32, #tpu.memory_space<vmem>> -> memref<1x128xi32, #tpu.memory_space<vmem>>
      %dma_wait3A_66 = arith.constant 0 : i32
      %dma_wait3A_67 = tpu.memref_slice %arg3[%mul3A_6, %dma_wait3A_66] : memref<32x128xi32, #tpu.memory_space<hbm>> -> memref<1x128xi32, #tpu.memory_space<hbm>>
      %dma_wait3A_68 = arith.constant 1 : i32
      %dma_wait3A_69 = arith.constant 0 : i32
      %dma_wait3A_70 = tpu.memref_slice %arg8[%dma_wait3A_68, %dma_wait3A_69] : memref<2x128xi32, #tpu.memory_space<vmem>> -> memref<1x128xi32, #tpu.memory_space<vmem>>
      %dma_wait3A_71 = arith.constant 0 : i32
      %dma_wait3A_72 = tpu.memref_slice %arg3[%mul3A_6, %dma_wait3A_71] : memref<32x128xi32, #tpu.memory_space<hbm>> -> memref<1x128xi32, #tpu.memory_space<hbm>>
      tpu.wait_dma2 semaphore(%run_scoped3A : memref<!tpu.dma_semaphore, #tpu.memory_space<semaphore_mem>>) src(%dma_wait3A_72 : memref<1x128xi32, #tpu.memory_space<hbm>>) dst(%dma_wait3A_70 : memref<1x128xi32, #tpu.memory_space<vmem>>)
      tpu.yield
    }) : () -> ()
    %dma_start3A = arith.constant 0 : i32
    %dma_start3A_7 = arith.constant 0 : i32
    %dma_start3A_8 = tpu.memref_slice %arg8[%dma_start3A, %dma_start3A_7] : memref<2x128xi32, #tpu.memory_space<vmem>> -> memref<1x128xi32, #tpu.memory_space<vmem>>
    %dma_start3A_9 = tpu.memref_squeeze %dma_start3A_8 : memref<1x128xi32, #tpu.memory_space<vmem>> -> memref<128xi32, #tpu.memory_space<vmem>>
    %dma_start3A_10 = arith.constant 0 : i32
    %dma_start3A_11 = arith.constant 0 : i32
    %dma_start3A_12 = tpu.memref_slice %arg4[%dma_start3A_10, %dma_start3A_11] : memref<100000x128xf32, #tpu.memory_space<hbm>> -> memref<100000x128xf32, #tpu.memory_space<hbm>>
    tpu.enqueue_indirect_dma source(%dma_start3A_12 : memref<100000x128xf32, #tpu.memory_space<hbm>>) target(%arg9 : memref<128x128xf32, #tpu.memory_space<vmem>>) offsets(%dma_start3A_9 : memref<128xi32, #tpu.memory_space<vmem>>) semaphore(%arg11 : memref<!tpu.dma_semaphore, #tpu.memory_space<semaphore_mem>>)
    %dma_start3A_13 = arith.constant 1 : i32
    %dma_start3A_14 = arith.constant 0 : i32
    %dma_start3A_15 = tpu.memref_slice %arg8[%dma_start3A_13, %dma_start3A_14] : memref<2x128xi32, #tpu.memory_space<vmem>> -> memref<1x128xi32, #tpu.memory_space<vmem>>
    %dma_start3A_16 = tpu.memref_squeeze %dma_start3A_15 : memref<1x128xi32, #tpu.memory_space<vmem>> -> memref<128xi32, #tpu.memory_space<vmem>>
    %dma_start3A_17 = arith.constant 0 : i32
    %dma_start3A_18 = arith.constant 0 : i32
    %dma_start3A_19 = tpu.memref_slice %arg5[%dma_start3A_17, %dma_start3A_18] : memref<100000x128xf32, #tpu.memory_space<hbm>> -> memref<100000x128xf32, #tpu.memory_space<hbm>>
    tpu.enqueue_indirect_dma source(%dma_start3A_19 : memref<100000x128xf32, #tpu.memory_space<hbm>>) target(%arg10 : memref<128x128xf32, #tpu.memory_space<vmem>>) offsets(%dma_start3A_16 : memref<128xi32, #tpu.memory_space<vmem>>) semaphore(%arg12 : memref<!tpu.dma_semaphore, #tpu.memory_space<semaphore_mem>>)
    %dma_wait3A = arith.constant 0 : i32
    %dma_wait3A_20 = arith.constant 0 : i32
    %dma_wait3A_21 = tpu.memref_slice %arg8[%dma_wait3A, %dma_wait3A_20] : memref<2x128xi32, #tpu.memory_space<vmem>> -> memref<1x128xi32, #tpu.memory_space<vmem>>
    %dma_wait3A_22 = tpu.memref_squeeze %dma_wait3A_21 : memref<1x128xi32, #tpu.memory_space<vmem>> -> memref<128xi32, #tpu.memory_space<vmem>>
    %dma_wait3A_23 = arith.constant 0 : i32
    %dma_wait3A_24 = arith.constant 0 : i32
    %dma_wait3A_25 = tpu.memref_slice %arg4[%dma_wait3A_23, %dma_wait3A_24] : memref<100000x128xf32, #tpu.memory_space<hbm>> -> memref<100000x128xf32, #tpu.memory_space<hbm>>
    tpu.wait_indirect_dma semaphore(%arg11 : memref<!tpu.dma_semaphore, #tpu.memory_space<semaphore_mem>>) src(%dma_wait3A_25 : memref<100000x128xf32, #tpu.memory_space<hbm>>) dst(%arg9 : memref<128x128xf32, #tpu.memory_space<vmem>>)
    %add3A_26 = arith.constant 0 : i32
    %add3A_27 = arith.addi %mul3A_2, %add3A_26 : i32
    %dma_start3A_28 = arith.constant 0 : i32
    %dma_start3A_29 = tpu.memref_slice %arg6[%add3A_27, %dma_start3A_28] : memref<4096x128xf32, #tpu.memory_space<hbm>> -> memref<128x128xf32, #tpu.memory_space<hbm>>
    %dma_start3A_30 = arith.constant 0 : i32
    %dma_start3A_31 = tpu.memref_slice %arg6[%add3A_27, %dma_start3A_30] : memref<4096x128xf32, #tpu.memory_space<hbm>> -> memref<128x128xf32, #tpu.memory_space<hbm>>
    tpu.enqueue_dma source(%arg9 : memref<128x128xf32, #tpu.memory_space<vmem>>) target(%dma_start3A_31 : memref<128x128xf32, #tpu.memory_space<hbm>>) target_semaphore(%arg13 : memref<!tpu.dma_semaphore, #tpu.memory_space<semaphore_mem>>)
    %dma_wait3A_32 = arith.constant 1 : i32
    %dma_wait3A_33 = arith.constant 0 : i32
    %dma_wait3A_34 = tpu.memref_slice %arg8[%dma_wait3A_32, %dma_wait3A_33] : memref<2x128xi32, #tpu.memory_space<vmem>> -> memref<1x128xi32, #tpu.memory_space<vmem>>
    %dma_wait3A_35 = tpu.memref_squeeze %dma_wait3A_34 : memref<1x128xi32, #tpu.memory_space<vmem>> -> memref<128xi32, #tpu.memory_space<vmem>>
    %dma_wait3A_36 = arith.constant 0 : i32
    %dma_wait3A_37 = arith.constant 0 : i32
    %dma_wait3A_38 = tpu.memref_slice %arg5[%dma_wait3A_36, %dma_wait3A_37] : memref<100000x128xf32, #tpu.memory_space<hbm>> -> memref<100000x128xf32, #tpu.memory_space<hbm>>
    tpu.wait_indirect_dma semaphore(%arg12 : memref<!tpu.dma_semaphore, #tpu.memory_space<semaphore_mem>>) src(%dma_wait3A_38 : memref<100000x128xf32, #tpu.memory_space<hbm>>) dst(%arg10 : memref<128x128xf32, #tpu.memory_space<vmem>>)
    %add3A_39 = arith.constant 0 : i32
    %add3A_40 = arith.addi %mul3A_2, %add3A_39 : i32
    %dma_start3A_41 = arith.constant 0 : i32
    %dma_start3A_42 = tpu.memref_slice %arg7[%add3A_40, %dma_start3A_41] : memref<4096x128xf32, #tpu.memory_space<hbm>> -> memref<128x128xf32, #tpu.memory_space<hbm>>
    %dma_start3A_43 = arith.constant 0 : i32
    %dma_start3A_44 = tpu.memref_slice %arg7[%add3A_40, %dma_start3A_43] : memref<4096x128xf32, #tpu.memory_space<hbm>> -> memref<128x128xf32, #tpu.memory_space<hbm>>
    tpu.enqueue_dma source(%arg10 : memref<128x128xf32, #tpu.memory_space<vmem>>) target(%dma_start3A_44 : memref<128x128xf32, #tpu.memory_space<hbm>>) target_semaphore(%arg14 : memref<!tpu.dma_semaphore, #tpu.memory_space<semaphore_mem>>)
    %dma_wait3A_45 = arith.constant 0 : i32
    %dma_wait3A_46 = tpu.memref_slice %arg6[%add3A_27, %dma_wait3A_45] : memref<4096x128xf32, #tpu.memory_space<hbm>> -> memref<128x128xf32, #tpu.memory_space<hbm>>
    %dma_wait3A_47 = arith.constant 0 : i32
    %dma_wait3A_48 = tpu.memref_slice %arg6[%add3A_27, %dma_wait3A_47] : memref<4096x128xf32, #tpu.memory_space<hbm>> -> memref<128x128xf32, #tpu.memory_space<hbm>>
    tpu.wait_dma2 semaphore(%arg13 : memref<!tpu.dma_semaphore, #tpu.memory_space<semaphore_mem>>) src(%arg9 : memref<128x128xf32, #tpu.memory_space<vmem>>) dst(%dma_wait3A_48 : memref<128x128xf32, #tpu.memory_space<hbm>>)
    %dma_wait3A_49 = arith.constant 0 : i32
    %dma_wait3A_50 = tpu.memref_slice %arg7[%add3A_40, %dma_wait3A_49] : memref<4096x128xf32, #tpu.memory_space<hbm>> -> memref<128x128xf32, #tpu.memory_space<hbm>>
    %dma_wait3A_51 = arith.constant 0 : i32
    %dma_wait3A_52 = tpu.memref_slice %arg7[%add3A_40, %dma_wait3A_51] : memref<4096x128xf32, #tpu.memory_space<hbm>> -> memref<128x128xf32, #tpu.memory_space<hbm>>
    tpu.wait_dma2 semaphore(%arg14 : memref<!tpu.dma_semaphore, #tpu.memory_space<semaphore_mem>>) src(%arg10 : memref<128x128xf32, #tpu.memory_space<vmem>>) dst(%dma_wait3A_52 : memref<128x128xf32, #tpu.memory_space<hbm>>)
    return
  }
}

#map = affine_map<(d0, d1) -> (0, 0)>
module attributes {stable_mosaic.version = 14 : i64} {
  func.func @_sc_gather(%arg0: i32, %arg1: i32, %arg2: memref<32x128xi32, #tpu.memory_space<hbm>>, %arg3: memref<32x128xi32, #tpu.memory_space<hbm>>, %arg4: memref<100000x128xf32, #tpu.memory_space<hbm>>, %arg5: memref<100000x128xf32, #tpu.memory_space<hbm>>, %arg6: memref<4096x128xf32, #tpu.memory_space<hbm>>, %arg7: memref<4096x128xf32, #tpu.memory_space<hbm>>, %arg8: memref<2x128xi32, #tpu.memory_space<vmem>>, %arg9: memref<128x128xf32, #tpu.memory_space<vmem>>, %arg10: memref<128x128xf32, #tpu.memory_space<vmem>>, %arg11: memref<!tpu.dma_semaphore, #tpu.memory_space<semaphore_mem>>, %arg12: memref<!tpu.dma_semaphore, #tpu.memory_space<semaphore_mem>>, %arg13: memref<!tpu.dma_semaphore, #tpu.memory_space<semaphore_mem>>, %arg14: memref<!tpu.dma_semaphore, #tpu.memory_space<semaphore_mem>>) attributes {dimension_semantics = [#tpu.dimension_semantics<core_parallel>, #tpu.dimension_semantics<subcore_parallel>], iteration_bounds = array<i64: 2, 16>, scalar_prefetch = 0 : i64, scratch_operands = 7 : i64, tpu.core_type = #tpu.core_type<sc_vector_subcore>, window_params = [{transform_indices = #map}, {transform_indices = #map}, {transform_indices = #map}, {transform_indices = #map}, {transform_indices = #map}, {transform_indices = #map}]} {
    %mul3A = arith.constant 2 : i32
    %mul3A_0 = arith.muli %arg1, %mul3A : i32
    %add3A = arith.addi %mul3A_0, %arg0 : i32
    %mul3A_1 = arith.constant 128 : i32
    %mul3A_2 = arith.muli %add3A, %mul3A_1 : i32
    %mul3A_3 = arith.constant 1 : i32
    %mul3A_4 = arith.muli %add3A, %mul3A_3 : i32
    "tpu.region"() ({
      %run_scoped3A = tpu.sem_alloc : memref<!tpu.dma_semaphore, #tpu.memory_space<semaphore_mem>>
      %dma_start3A_53 = arith.constant 0 : i32
      %dma_start3A_54 = arith.constant 0 : i32
      %dma_start3A_55 = tpu.memref_slice %arg8[%dma_start3A_53, %dma_start3A_54] : memref<2x128xi32, #tpu.memory_space<vmem>> -> memref<1x128xi32, #tpu.memory_space<vmem>>
      %dma_start3A_56 = arith.constant 0 : i32
      %dma_start3A_57 = tpu.memref_slice %arg2[%mul3A_4, %dma_start3A_56] : memref<32x128xi32, #tpu.memory_space<hbm>> -> memref<1x128xi32, #tpu.memory_space<hbm>>
      %dma_start3A_58 = arith.constant 0 : i32
      %dma_start3A_59 = arith.constant 0 : i32
      %dma_start3A_60 = tpu.memref_slice %arg8[%dma_start3A_58, %dma_start3A_59] : memref<2x128xi32, #tpu.memory_space<vmem>> -> memref<1x128xi32, #tpu.memory_space<vmem>>
      %dma_start3A_61 = arith.constant 0 : i32
      %dma_start3A_62 = tpu.memref_slice %arg2[%mul3A_4, %dma_start3A_61] : memref<32x128xi32, #tpu.memory_space<hbm>> -> memref<1x128xi32, #tpu.memory_space<hbm>>
      tpu.enqueue_dma source(%dma_start3A_62 : memref<1x128xi32, #tpu.memory_space<hbm>>) target(%dma_start3A_60 : memref<1x128xi32, #tpu.memory_space<vmem>>) target_semaphore(%run_scoped3A : memref<!tpu.dma_semaphore, #tpu.memory_space<semaphore_mem>>)
      %dma_wait3A_63 = arith.constant 0 : i32
      %dma_wait3A_64 = arith.constant 0 : i32
      %dma_wait3A_65 = tpu.memref_slice %arg8[%dma_wait3A_63, %dma_wait3A_64] : memref<2x128xi32, #tpu.memory_space<vmem>> -> memref<1x128xi32, #tpu.memory_space<vmem>>
      %dma_wait3A_66 = arith.constant 0 : i32
      %dma_wait3A_67 = tpu.memref_slice %arg2[%mul3A_4, %dma_wait3A_66] : memref<32x128xi32, #tpu.memory_space<hbm>> -> memref<1x128xi32, #tpu.memory_space<hbm>>
      %dma_wait3A_68 = arith.constant 0 : i32
      %dma_wait3A_69 = arith.constant 0 : i32
      %dma_wait3A_70 = tpu.memref_slice %arg8[%dma_wait3A_68, %dma_wait3A_69] : memref<2x128xi32, #tpu.memory_space<vmem>> -> memref<1x128xi32, #tpu.memory_space<vmem>>
      %dma_wait3A_71 = arith.constant 0 : i32
      %dma_wait3A_72 = tpu.memref_slice %arg2[%mul3A_4, %dma_wait3A_71] : memref<32x128xi32, #tpu.memory_space<hbm>> -> memref<1x128xi32, #tpu.memory_space<hbm>>
      tpu.wait_dma2 semaphore(%run_scoped3A : memref<!tpu.dma_semaphore, #tpu.memory_space<semaphore_mem>>) src(%dma_wait3A_72 : memref<1x128xi32, #tpu.memory_space<hbm>>) dst(%dma_wait3A_70 : memref<1x128xi32, #tpu.memory_space<vmem>>)
      tpu.yield
    }) : () -> ()
    %mul3A_5 = arith.constant 1 : i32
    %mul3A_6 = arith.muli %add3A, %mul3A_5 : i32
    "tpu.region"() ({
      %run_scoped3A = tpu.sem_alloc : memref<!tpu.dma_semaphore, #tpu.memory_space<semaphore_mem>>
      %dma_start3A_53 = arith.constant 1 : i32
      %dma_start3A_54 = arith.constant 0 : i32
      %dma_start3A_55 = tpu.memref_slice %arg8[%dma_start3A_53, %dma_start3A_54] : memref<2x128xi32, #tpu.memory_space<vmem>> -> memref<1x128xi32, #tpu.memory_space<vmem>>
      %dma_start3A_56 = arith.constant 0 : i32
      %dma_start3A_57 = tpu.memref_slice %arg3[%mul3A_6, %dma_start3A_56] : memref<32x128xi32, #tpu.memory_space<hbm>> -> memref<1x128xi32, #tpu.memory_space<hbm>>
      %dma_start3A_58 = arith.constant 1 : i32
      %dma_start3A_59 = arith.constant 0 : i32
      %dma_start3A_60 = tpu.memref_slice %arg8[%dma_start3A_58, %dma_start3A_59] : memref<2x128xi32, #tpu.memory_space<vmem>> -> memref<1x128xi32, #tpu.memory_space<vmem>>
      %dma_start3A_61 = arith.constant 0 : i32
      %dma_start3A_62 = tpu.memref_slice %arg3[%mul3A_6, %dma_start3A_61] : memref<32x128xi32, #tpu.memory_space<hbm>> -> memref<1x128xi32, #tpu.memory_space<hbm>>
      tpu.enqueue_dma source(%dma_start3A_62 : memref<1x128xi32, #tpu.memory_space<hbm>>) target(%dma_start3A_60 : memref<1x128xi32, #tpu.memory_space<vmem>>) target_semaphore(%run_scoped3A : memref<!tpu.dma_semaphore, #tpu.memory_space<semaphore_mem>>)
      %dma_wait3A_63 = arith.constant 1 : i32
      %dma_wait3A_64 = arith.constant 0 : i32
      %dma_wait3A_65 = tpu.memref_slice %arg8[%dma_wait3A_63, %dma_wait3A_64] : memref<2x128xi32, #tpu.memory_space<vmem>> -> memref<1x128xi32, #tpu.memory_space<vmem>>
      %dma_wait3A_66 = arith.constant 0 : i32
      %dma_wait3A_67 = tpu.memref_slice %arg3[%mul3A_6, %dma_wait3A_66] : memref<32x128xi32, #tpu.memory_space<hbm>> -> memref<1x128xi32, #tpu.memory_space<hbm>>
      %dma_wait3A_68 = arith.constant 1 : i32
      %dma_wait3A_69 = arith.constant 0 : i32
      %dma_wait3A_70 = tpu.memref_slice %arg8[%dma_wait3A_68, %dma_wait3A_69] : memref<2x128xi32, #tpu.memory_space<vmem>> -> memref<1x128xi32, #tpu.memory_space<vmem>>
      %dma_wait3A_71 = arith.constant 0 : i32
      %dma_wait3A_72 = tpu.memref_slice %arg3[%mul3A_6, %dma_wait3A_71] : memref<32x128xi32, #tpu.memory_space<hbm>> -> memref<1x128xi32, #tpu.memory_space<hbm>>
      tpu.wait_dma2 semaphore(%run_scoped3A : memref<!tpu.dma_semaphore, #tpu.memory_space<semaphore_mem>>) src(%dma_wait3A_72 : memref<1x128xi32, #tpu.memory_space<hbm>>) dst(%dma_wait3A_70 : memref<1x128xi32, #tpu.memory_space<vmem>>)
      tpu.yield
    }) : () -> ()
    %dma_start3A = arith.constant 0 : i32
    %dma_start3A_7 = arith.constant 0 : i32
    %dma_start3A_8 = tpu.memref_slice %arg8[%dma_start3A, %dma_start3A_7] : memref<2x128xi32, #tpu.memory_space<vmem>> -> memref<1x128xi32, #tpu.memory_space<vmem>>
    %dma_start3A_9 = tpu.memref_squeeze %dma_start3A_8 : memref<1x128xi32, #tpu.memory_space<vmem>> -> memref<128xi32, #tpu.memory_space<vmem>>
    %dma_start3A_10 = arith.constant 0 : i32
    %dma_start3A_11 = arith.constant 0 : i32
    %dma_start3A_12 = tpu.memref_slice %arg4[%dma_start3A_10, %dma_start3A_11] : memref<100000x128xf32, #tpu.memory_space<hbm>> -> memref<100000x128xf32, #tpu.memory_space<hbm>>
    tpu.enqueue_indirect_dma source(%dma_start3A_12 : memref<100000x128xf32, #tpu.memory_space<hbm>>) target(%arg9 : memref<128x128xf32, #tpu.memory_space<vmem>>) offsets(%dma_start3A_9 : memref<128xi32, #tpu.memory_space<vmem>>) semaphore(%arg11 : memref<!tpu.dma_semaphore, #tpu.memory_space<semaphore_mem>>)
    %dma_start3A_13 = arith.constant 1 : i32
    %dma_start3A_14 = arith.constant 0 : i32
    %dma_start3A_15 = tpu.memref_slice %arg8[%dma_start3A_13, %dma_start3A_14] : memref<2x128xi32, #tpu.memory_space<vmem>> -> memref<1x128xi32, #tpu.memory_space<vmem>>
    %dma_start3A_16 = tpu.memref_squeeze %dma_start3A_15 : memref<1x128xi32, #tpu.memory_space<vmem>> -> memref<128xi32, #tpu.memory_space<vmem>>
    %dma_start3A_17 = arith.constant 0 : i32
    %dma_start3A_18 = arith.constant 0 : i32
    %dma_start3A_19 = tpu.memref_slice %arg5[%dma_start3A_17, %dma_start3A_18] : memref<100000x128xf32, #tpu.memory_space<hbm>> -> memref<100000x128xf32, #tpu.memory_space<hbm>>
    tpu.enqueue_indirect_dma source(%dma_start3A_19 : memref<100000x128xf32, #tpu.memory_space<hbm>>) target(%arg10 : memref<128x128xf32, #tpu.memory_space<vmem>>) offsets(%dma_start3A_16 : memref<128xi32, #tpu.memory_space<vmem>>) semaphore(%arg12 : memref<!tpu.dma_semaphore, #tpu.memory_space<semaphore_mem>>)
    %dma_wait3A = arith.constant 0 : i32
    %dma_wait3A_20 = arith.constant 0 : i32
    %dma_wait3A_21 = tpu.memref_slice %arg8[%dma_wait3A, %dma_wait3A_20] : memref<2x128xi32, #tpu.memory_space<vmem>> -> memref<1x128xi32, #tpu.memory_space<vmem>>
    %dma_wait3A_22 = tpu.memref_squeeze %dma_wait3A_21 : memref<1x128xi32, #tpu.memory_space<vmem>> -> memref<128xi32, #tpu.memory_space<vmem>>
    %dma_wait3A_23 = arith.constant 0 : i32
    %dma_wait3A_24 = arith.constant 0 : i32
    %dma_wait3A_25 = tpu.memref_slice %arg4[%dma_wait3A_23, %dma_wait3A_24] : memref<100000x128xf32, #tpu.memory_space<hbm>> -> memref<100000x128xf32, #tpu.memory_space<hbm>>
    tpu.wait_indirect_dma semaphore(%arg11 : memref<!tpu.dma_semaphore, #tpu.memory_space<semaphore_mem>>) src(%dma_wait3A_25 : memref<100000x128xf32, #tpu.memory_space<hbm>>) dst(%arg9 : memref<128x128xf32, #tpu.memory_space<vmem>>)
    %add3A_26 = arith.constant 0 : i32
    %add3A_27 = arith.addi %mul3A_2, %add3A_26 : i32
    %dma_start3A_28 = arith.constant 0 : i32
    %dma_start3A_29 = tpu.memref_slice %arg6[%add3A_27, %dma_start3A_28] : memref<4096x128xf32, #tpu.memory_space<hbm>> -> memref<128x128xf32, #tpu.memory_space<hbm>>
    %dma_start3A_30 = arith.constant 0 : i32
    %dma_start3A_31 = tpu.memref_slice %arg6[%add3A_27, %dma_start3A_30] : memref<4096x128xf32, #tpu.memory_space<hbm>> -> memref<128x128xf32, #tpu.memory_space<hbm>>
    tpu.enqueue_dma source(%arg9 : memref<128x128xf32, #tpu.memory_space<vmem>>) target(%dma_start3A_31 : memref<128x128xf32, #tpu.memory_space<hbm>>) target_semaphore(%arg13 : memref<!tpu.dma_semaphore, #tpu.memory_space<semaphore_mem>>)
    %dma_wait3A_32 = arith.constant 1 : i32
    %dma_wait3A_33 = arith.constant 0 : i32
    %dma_wait3A_34 = tpu.memref_slice %arg8[%dma_wait3A_32, %dma_wait3A_33] : memref<2x128xi32, #tpu.memory_space<vmem>> -> memref<1x128xi32, #tpu.memory_space<vmem>>
    %dma_wait3A_35 = tpu.memref_squeeze %dma_wait3A_34 : memref<1x128xi32, #tpu.memory_space<vmem>> -> memref<128xi32, #tpu.memory_space<vmem>>
    %dma_wait3A_36 = arith.constant 0 : i32
    %dma_wait3A_37 = arith.constant 0 : i32
    %dma_wait3A_38 = tpu.memref_slice %arg5[%dma_wait3A_36, %dma_wait3A_37] : memref<100000x128xf32, #tpu.memory_space<hbm>> -> memref<100000x128xf32, #tpu.memory_space<hbm>>
    tpu.wait_indirect_dma semaphore(%arg12 : memref<!tpu.dma_semaphore, #tpu.memory_space<semaphore_mem>>) src(%dma_wait3A_38 : memref<100000x128xf32, #tpu.memory_space<hbm>>) dst(%arg10 : memref<128x128xf32, #tpu.memory_space<vmem>>)
    %add3A_39 = arith.constant 0 : i32
    %add3A_40 = arith.addi %mul3A_2, %add3A_39 : i32
    %dma_start3A_41 = arith.constant 0 : i32
    %dma_start3A_42 = tpu.memref_slice %arg7[%add3A_40, %dma_start3A_41] : memref<4096x128xf32, #tpu.memory_space<hbm>> -> memref<128x128xf32, #tpu.memory_space<hbm>>
    %dma_start3A_43 = arith.constant 0 : i32
    %dma_start3A_44 = tpu.memref_slice %arg7[%add3A_40, %dma_start3A_43] : memref<4096x128xf32, #tpu.memory_space<hbm>> -> memref<128x128xf32, #tpu.memory_space<hbm>>
    tpu.enqueue_dma source(%arg10 : memref<128x128xf32, #tpu.memory_space<vmem>>) target(%dma_start3A_44 : memref<128x128xf32, #tpu.memory_space<hbm>>) target_semaphore(%arg14 : memref<!tpu.dma_semaphore, #tpu.memory_space<semaphore_mem>>)
    %dma_wait3A_45 = arith.constant 0 : i32
    %dma_wait3A_46 = tpu.memref_slice %arg6[%add3A_27, %dma_wait3A_45] : memref<4096x128xf32, #tpu.memory_space<hbm>> -> memref<128x128xf32, #tpu.memory_space<hbm>>
    %dma_wait3A_47 = arith.constant 0 : i32
    %dma_wait3A_48 = tpu.memref_slice %arg6[%add3A_27, %dma_wait3A_47] : memref<4096x128xf32, #tpu.memory_space<hbm>> -> memref<128x128xf32, #tpu.memory_space<hbm>>
    tpu.wait_dma2 semaphore(%arg13 : memref<!tpu.dma_semaphore, #tpu.memory_space<semaphore_mem>>) src(%arg9 : memref<128x128xf32, #tpu.memory_space<vmem>>) dst(%dma_wait3A_48 : memref<128x128xf32, #tpu.memory_space<hbm>>)
    %dma_wait3A_49 = arith.constant 0 : i32
    %dma_wait3A_50 = tpu.memref_slice %arg7[%add3A_40, %dma_wait3A_49] : memref<4096x128xf32, #tpu.memory_space<hbm>> -> memref<128x128xf32, #tpu.memory_space<hbm>>
    %dma_wait3A_51 = arith.constant 0 : i32
    %dma_wait3A_52 = tpu.memref_slice %arg7[%add3A_40, %dma_wait3A_51] : memref<4096x128xf32, #tpu.memory_space<hbm>> -> memref<128x128xf32, #tpu.memory_space<hbm>>
    tpu.wait_dma2 semaphore(%arg14 : memref<!tpu.dma_semaphore, #tpu.memory_space<semaphore_mem>>) src(%arg10 : memref<128x128xf32, #tpu.memory_space<vmem>>) dst(%dma_wait3A_52 : memref<128x128xf32, #tpu.memory_space<hbm>>)
    return
  }
}

#map = affine_map<(d0, d1) -> (0, 0)>
module attributes {stable_mosaic.version = 14 : i64} {
  func.func @_sc_gather(%arg0: i32, %arg1: i32, %arg2: memref<32x128xi32, #tpu.memory_space<hbm>>, %arg3: memref<32x128xi32, #tpu.memory_space<hbm>>, %arg4: memref<100000x128xf32, #tpu.memory_space<hbm>>, %arg5: memref<100000x128xf32, #tpu.memory_space<hbm>>, %arg6: memref<4096x128xf32, #tpu.memory_space<hbm>>, %arg7: memref<4096x128xf32, #tpu.memory_space<hbm>>, %arg8: memref<2x128xi32, #tpu.memory_space<vmem>>, %arg9: memref<128x128xf32, #tpu.memory_space<vmem>>, %arg10: memref<128x128xf32, #tpu.memory_space<vmem>>, %arg11: memref<!tpu.dma_semaphore, #tpu.memory_space<semaphore_mem>>, %arg12: memref<!tpu.dma_semaphore, #tpu.memory_space<semaphore_mem>>, %arg13: memref<!tpu.dma_semaphore, #tpu.memory_space<semaphore_mem>>, %arg14: memref<!tpu.dma_semaphore, #tpu.memory_space<semaphore_mem>>) attributes {dimension_semantics = [#tpu.dimension_semantics<core_parallel>, #tpu.dimension_semantics<subcore_parallel>], iteration_bounds = array<i64: 2, 16>, scalar_prefetch = 0 : i64, scratch_operands = 7 : i64, tpu.core_type = #tpu.core_type<sc_vector_subcore>, window_params = [{transform_indices = #map}, {transform_indices = #map}, {transform_indices = #map}, {transform_indices = #map}, {transform_indices = #map}, {transform_indices = #map}]} {
    %mul3A = arith.constant 2 : i32
    %mul3A_0 = arith.muli %arg1, %mul3A : i32
    %add3A = arith.addi %mul3A_0, %arg0 : i32
    %mul3A_1 = arith.constant 128 : i32
    %mul3A_2 = arith.muli %add3A, %mul3A_1 : i32
    %mul3A_3 = arith.constant 1 : i32
    %mul3A_4 = arith.muli %add3A, %mul3A_3 : i32
    "tpu.region"() ({
      %run_scoped3A = tpu.sem_alloc : memref<!tpu.dma_semaphore, #tpu.memory_space<semaphore_mem>>
      %dma_start3A_53 = arith.constant 0 : i32
      %dma_start3A_54 = arith.constant 0 : i32
      %dma_start3A_55 = tpu.memref_slice %arg8[%dma_start3A_53, %dma_start3A_54] : memref<2x128xi32, #tpu.memory_space<vmem>> -> memref<1x128xi32, #tpu.memory_space<vmem>>
      %dma_start3A_56 = arith.constant 0 : i32
      %dma_start3A_57 = tpu.memref_slice %arg2[%mul3A_4, %dma_start3A_56] : memref<32x128xi32, #tpu.memory_space<hbm>> -> memref<1x128xi32, #tpu.memory_space<hbm>>
      %dma_start3A_58 = arith.constant 0 : i32
      %dma_start3A_59 = arith.constant 0 : i32
      %dma_start3A_60 = tpu.memref_slice %arg8[%dma_start3A_58, %dma_start3A_59] : memref<2x128xi32, #tpu.memory_space<vmem>> -> memref<1x128xi32, #tpu.memory_space<vmem>>
      %dma_start3A_61 = arith.constant 0 : i32
      %dma_start3A_62 = tpu.memref_slice %arg2[%mul3A_4, %dma_start3A_61] : memref<32x128xi32, #tpu.memory_space<hbm>> -> memref<1x128xi32, #tpu.memory_space<hbm>>
      tpu.enqueue_dma source(%dma_start3A_62 : memref<1x128xi32, #tpu.memory_space<hbm>>) target(%dma_start3A_60 : memref<1x128xi32, #tpu.memory_space<vmem>>) target_semaphore(%run_scoped3A : memref<!tpu.dma_semaphore, #tpu.memory_space<semaphore_mem>>)
      %dma_wait3A_63 = arith.constant 0 : i32
      %dma_wait3A_64 = arith.constant 0 : i32
      %dma_wait3A_65 = tpu.memref_slice %arg8[%dma_wait3A_63, %dma_wait3A_64] : memref<2x128xi32, #tpu.memory_space<vmem>> -> memref<1x128xi32, #tpu.memory_space<vmem>>
      %dma_wait3A_66 = arith.constant 0 : i32
      %dma_wait3A_67 = tpu.memref_slice %arg2[%mul3A_4, %dma_wait3A_66] : memref<32x128xi32, #tpu.memory_space<hbm>> -> memref<1x128xi32, #tpu.memory_space<hbm>>
      %dma_wait3A_68 = arith.constant 0 : i32
      %dma_wait3A_69 = arith.constant 0 : i32
      %dma_wait3A_70 = tpu.memref_slice %arg8[%dma_wait3A_68, %dma_wait3A_69] : memref<2x128xi32, #tpu.memory_space<vmem>> -> memref<1x128xi32, #tpu.memory_space<vmem>>
      %dma_wait3A_71 = arith.constant 0 : i32
      %dma_wait3A_72 = tpu.memref_slice %arg2[%mul3A_4, %dma_wait3A_71] : memref<32x128xi32, #tpu.memory_space<hbm>> -> memref<1x128xi32, #tpu.memory_space<hbm>>
      tpu.wait_dma2 semaphore(%run_scoped3A : memref<!tpu.dma_semaphore, #tpu.memory_space<semaphore_mem>>) src(%dma_wait3A_72 : memref<1x128xi32, #tpu.memory_space<hbm>>) dst(%dma_wait3A_70 : memref<1x128xi32, #tpu.memory_space<vmem>>)
      tpu.yield
    }) : () -> ()
    %mul3A_5 = arith.constant 1 : i32
    %mul3A_6 = arith.muli %add3A, %mul3A_5 : i32
    "tpu.region"() ({
      %run_scoped3A = tpu.sem_alloc : memref<!tpu.dma_semaphore, #tpu.memory_space<semaphore_mem>>
      %dma_start3A_53 = arith.constant 1 : i32
      %dma_start3A_54 = arith.constant 0 : i32
      %dma_start3A_55 = tpu.memref_slice %arg8[%dma_start3A_53, %dma_start3A_54] : memref<2x128xi32, #tpu.memory_space<vmem>> -> memref<1x128xi32, #tpu.memory_space<vmem>>
      %dma_start3A_56 = arith.constant 0 : i32
      %dma_start3A_57 = tpu.memref_slice %arg3[%mul3A_6, %dma_start3A_56] : memref<32x128xi32, #tpu.memory_space<hbm>> -> memref<1x128xi32, #tpu.memory_space<hbm>>
      %dma_start3A_58 = arith.constant 1 : i32
      %dma_start3A_59 = arith.constant 0 : i32
      %dma_start3A_60 = tpu.memref_slice %arg8[%dma_start3A_58, %dma_start3A_59] : memref<2x128xi32, #tpu.memory_space<vmem>> -> memref<1x128xi32, #tpu.memory_space<vmem>>
      %dma_start3A_61 = arith.constant 0 : i32
      %dma_start3A_62 = tpu.memref_slice %arg3[%mul3A_6, %dma_start3A_61] : memref<32x128xi32, #tpu.memory_space<hbm>> -> memref<1x128xi32, #tpu.memory_space<hbm>>
      tpu.enqueue_dma source(%dma_start3A_62 : memref<1x128xi32, #tpu.memory_space<hbm>>) target(%dma_start3A_60 : memref<1x128xi32, #tpu.memory_space<vmem>>) target_semaphore(%run_scoped3A : memref<!tpu.dma_semaphore, #tpu.memory_space<semaphore_mem>>)
      %dma_wait3A_63 = arith.constant 1 : i32
      %dma_wait3A_64 = arith.constant 0 : i32
      %dma_wait3A_65 = tpu.memref_slice %arg8[%dma_wait3A_63, %dma_wait3A_64] : memref<2x128xi32, #tpu.memory_space<vmem>> -> memref<1x128xi32, #tpu.memory_space<vmem>>
      %dma_wait3A_66 = arith.constant 0 : i32
      %dma_wait3A_67 = tpu.memref_slice %arg3[%mul3A_6, %dma_wait3A_66] : memref<32x128xi32, #tpu.memory_space<hbm>> -> memref<1x128xi32, #tpu.memory_space<hbm>>
      %dma_wait3A_68 = arith.constant 1 : i32
      %dma_wait3A_69 = arith.constant 0 : i32
      %dma_wait3A_70 = tpu.memref_slice %arg8[%dma_wait3A_68, %dma_wait3A_69] : memref<2x128xi32, #tpu.memory_space<vmem>> -> memref<1x128xi32, #tpu.memory_space<vmem>>
      %dma_wait3A_71 = arith.constant 0 : i32
      %dma_wait3A_72 = tpu.memref_slice %arg3[%mul3A_6, %dma_wait3A_71] : memref<32x128xi32, #tpu.memory_space<hbm>> -> memref<1x128xi32, #tpu.memory_space<hbm>>
      tpu.wait_dma2 semaphore(%run_scoped3A : memref<!tpu.dma_semaphore, #tpu.memory_space<semaphore_mem>>) src(%dma_wait3A_72 : memref<1x128xi32, #tpu.memory_space<hbm>>) dst(%dma_wait3A_70 : memref<1x128xi32, #tpu.memory_space<vmem>>)
      tpu.yield
    }) : () -> ()
    %dma_start3A = arith.constant 0 : i32
    %dma_start3A_7 = arith.constant 0 : i32
    %dma_start3A_8 = tpu.memref_slice %arg8[%dma_start3A, %dma_start3A_7] : memref<2x128xi32, #tpu.memory_space<vmem>> -> memref<1x128xi32, #tpu.memory_space<vmem>>
    %dma_start3A_9 = tpu.memref_squeeze %dma_start3A_8 : memref<1x128xi32, #tpu.memory_space<vmem>> -> memref<128xi32, #tpu.memory_space<vmem>>
    %dma_start3A_10 = arith.constant 0 : i32
    %dma_start3A_11 = arith.constant 0 : i32
    %dma_start3A_12 = tpu.memref_slice %arg4[%dma_start3A_10, %dma_start3A_11] : memref<100000x128xf32, #tpu.memory_space<hbm>> -> memref<100000x128xf32, #tpu.memory_space<hbm>>
    tpu.enqueue_indirect_dma source(%dma_start3A_12 : memref<100000x128xf32, #tpu.memory_space<hbm>>) target(%arg9 : memref<128x128xf32, #tpu.memory_space<vmem>>) offsets(%dma_start3A_9 : memref<128xi32, #tpu.memory_space<vmem>>) semaphore(%arg11 : memref<!tpu.dma_semaphore, #tpu.memory_space<semaphore_mem>>)
    %dma_start3A_13 = arith.constant 1 : i32
    %dma_start3A_14 = arith.constant 0 : i32
    %dma_start3A_15 = tpu.memref_slice %arg8[%dma_start3A_13, %dma_start3A_14] : memref<2x128xi32, #tpu.memory_space<vmem>> -> memref<1x128xi32, #tpu.memory_space<vmem>>
    %dma_start3A_16 = tpu.memref_squeeze %dma_start3A_15 : memref<1x128xi32, #tpu.memory_space<vmem>> -> memref<128xi32, #tpu.memory_space<vmem>>
    %dma_start3A_17 = arith.constant 0 : i32
    %dma_start3A_18 = arith.constant 0 : i32
    %dma_start3A_19 = tpu.memref_slice %arg5[%dma_start3A_17, %dma_start3A_18] : memref<100000x128xf32, #tpu.memory_space<hbm>> -> memref<100000x128xf32, #tpu.memory_space<hbm>>
    tpu.enqueue_indirect_dma source(%dma_start3A_19 : memref<100000x128xf32, #tpu.memory_space<hbm>>) target(%arg10 : memref<128x128xf32, #tpu.memory_space<vmem>>) offsets(%dma_start3A_16 : memref<128xi32, #tpu.memory_space<vmem>>) semaphore(%arg12 : memref<!tpu.dma_semaphore, #tpu.memory_space<semaphore_mem>>)
    %dma_wait3A = arith.constant 0 : i32
    %dma_wait3A_20 = arith.constant 0 : i32
    %dma_wait3A_21 = tpu.memref_slice %arg8[%dma_wait3A, %dma_wait3A_20] : memref<2x128xi32, #tpu.memory_space<vmem>> -> memref<1x128xi32, #tpu.memory_space<vmem>>
    %dma_wait3A_22 = tpu.memref_squeeze %dma_wait3A_21 : memref<1x128xi32, #tpu.memory_space<vmem>> -> memref<128xi32, #tpu.memory_space<vmem>>
    %dma_wait3A_23 = arith.constant 0 : i32
    %dma_wait3A_24 = arith.constant 0 : i32
    %dma_wait3A_25 = tpu.memref_slice %arg4[%dma_wait3A_23, %dma_wait3A_24] : memref<100000x128xf32, #tpu.memory_space<hbm>> -> memref<100000x128xf32, #tpu.memory_space<hbm>>
    tpu.wait_indirect_dma semaphore(%arg11 : memref<!tpu.dma_semaphore, #tpu.memory_space<semaphore_mem>>) src(%dma_wait3A_25 : memref<100000x128xf32, #tpu.memory_space<hbm>>) dst(%arg9 : memref<128x128xf32, #tpu.memory_space<vmem>>)
    %add3A_26 = arith.constant 0 : i32
    %add3A_27 = arith.addi %mul3A_2, %add3A_26 : i32
    %dma_start3A_28 = arith.constant 0 : i32
    %dma_start3A_29 = tpu.memref_slice %arg6[%add3A_27, %dma_start3A_28] : memref<4096x128xf32, #tpu.memory_space<hbm>> -> memref<128x128xf32, #tpu.memory_space<hbm>>
    %dma_start3A_30 = arith.constant 0 : i32
    %dma_start3A_31 = tpu.memref_slice %arg6[%add3A_27, %dma_start3A_30] : memref<4096x128xf32, #tpu.memory_space<hbm>> -> memref<128x128xf32, #tpu.memory_space<hbm>>
    tpu.enqueue_dma source(%arg9 : memref<128x128xf32, #tpu.memory_space<vmem>>) target(%dma_start3A_31 : memref<128x128xf32, #tpu.memory_space<hbm>>) target_semaphore(%arg13 : memref<!tpu.dma_semaphore, #tpu.memory_space<semaphore_mem>>)
    %dma_wait3A_32 = arith.constant 1 : i32
    %dma_wait3A_33 = arith.constant 0 : i32
    %dma_wait3A_34 = tpu.memref_slice %arg8[%dma_wait3A_32, %dma_wait3A_33] : memref<2x128xi32, #tpu.memory_space<vmem>> -> memref<1x128xi32, #tpu.memory_space<vmem>>
    %dma_wait3A_35 = tpu.memref_squeeze %dma_wait3A_34 : memref<1x128xi32, #tpu.memory_space<vmem>> -> memref<128xi32, #tpu.memory_space<vmem>>
    %dma_wait3A_36 = arith.constant 0 : i32
    %dma_wait3A_37 = arith.constant 0 : i32
    %dma_wait3A_38 = tpu.memref_slice %arg5[%dma_wait3A_36, %dma_wait3A_37] : memref<100000x128xf32, #tpu.memory_space<hbm>> -> memref<100000x128xf32, #tpu.memory_space<hbm>>
    tpu.wait_indirect_dma semaphore(%arg12 : memref<!tpu.dma_semaphore, #tpu.memory_space<semaphore_mem>>) src(%dma_wait3A_38 : memref<100000x128xf32, #tpu.memory_space<hbm>>) dst(%arg10 : memref<128x128xf32, #tpu.memory_space<vmem>>)
    %add3A_39 = arith.constant 0 : i32
    %add3A_40 = arith.addi %mul3A_2, %add3A_39 : i32
    %dma_start3A_41 = arith.constant 0 : i32
    %dma_start3A_42 = tpu.memref_slice %arg7[%add3A_40, %dma_start3A_41] : memref<4096x128xf32, #tpu.memory_space<hbm>> -> memref<128x128xf32, #tpu.memory_space<hbm>>
    %dma_start3A_43 = arith.constant 0 : i32
    %dma_start3A_44 = tpu.memref_slice %arg7[%add3A_40, %dma_start3A_43] : memref<4096x128xf32, #tpu.memory_space<hbm>> -> memref<128x128xf32, #tpu.memory_space<hbm>>
    tpu.enqueue_dma source(%arg10 : memref<128x128xf32, #tpu.memory_space<vmem>>) target(%dma_start3A_44 : memref<128x128xf32, #tpu.memory_space<hbm>>) target_semaphore(%arg14 : memref<!tpu.dma_semaphore, #tpu.memory_space<semaphore_mem>>)
    %dma_wait3A_45 = arith.constant 0 : i32
    %dma_wait3A_46 = tpu.memref_slice %arg6[%add3A_27, %dma_wait3A_45] : memref<4096x128xf32, #tpu.memory_space<hbm>> -> memref<128x128xf32, #tpu.memory_space<hbm>>
    %dma_wait3A_47 = arith.constant 0 : i32
    %dma_wait3A_48 = tpu.memref_slice %arg6[%add3A_27, %dma_wait3A_47] : memref<4096x128xf32, #tpu.memory_space<hbm>> -> memref<128x128xf32, #tpu.memory_space<hbm>>
    tpu.wait_dma2 semaphore(%arg13 : memref<!tpu.dma_semaphore, #tpu.memory_space<semaphore_mem>>) src(%arg9 : memref<128x128xf32, #tpu.memory_space<vmem>>) dst(%dma_wait3A_48 : memref<128x128xf32, #tpu.memory_space<hbm>>)
    %dma_wait3A_49 = arith.constant 0 : i32
    %dma_wait3A_50 = tpu.memref_slice %arg7[%add3A_40, %dma_wait3A_49] : memref<4096x128xf32, #tpu.memory_space<hbm>> -> memref<128x128xf32, #tpu.memory_space<hbm>>
    %dma_wait3A_51 = arith.constant 0 : i32
    %dma_wait3A_52 = tpu.memref_slice %arg7[%add3A_40, %dma_wait3A_51] : memref<4096x128xf32, #tpu.memory_space<hbm>> -> memref<128x128xf32, #tpu.memory_space<hbm>>
    tpu.wait_dma2 semaphore(%arg14 : memref<!tpu.dma_semaphore, #tpu.memory_space<semaphore_mem>>) src(%arg10 : memref<128x128xf32, #tpu.memory_space<vmem>>) dst(%dma_wait3A_52 : memref<128x128xf32, #tpu.memory_space<hbm>>)
    return
  }
}

module attributes {stable_mosaic.version = 14 : i64} {
  func.func @_mm_body_alias(%arg0: i32, %arg1: memref<4096x128xf32, #tpu.memory_space<vmem>>, %arg2: memref<4096x128xf32, #tpu.memory_space<vmem>>, %arg3: memref<256x128xf32, #tpu.memory_space<vmem>>, %arg4: memref<1x128xf32, #tpu.memory_space<vmem>>, %arg5: memref<16384x128xf32, #tpu.memory_space<any>>, %arg6: memref<4096x128xf32, #tpu.memory_space<vmem>>) attributes {dimension_semantics = [#tpu.dimension_semantics<arbitrary>], iteration_bounds = array<i64: 1>, scalar_prefetch = 0 : i64, scratch_operands = 0 : i64, tpu.core_type = #tpu.core_type<tc>, window_params = [{transform_indices = @transform_0, window_bounds = array<i64: 4096, 128>}, {transform_indices = @transform_1, window_bounds = array<i64: 4096, 128>}, {pipeline_mode = #tpu.pipeline_mode<synchronous>, transform_indices = @transform_2, window_bounds = array<i64: 256, 128>}, {pipeline_mode = #tpu.pipeline_mode<synchronous>, transform_indices = @transform_3, window_bounds = array<i64: 1, 128>}, {}, {transform_indices = @transform_5, window_bounds = array<i64: 4096, 128>}]} {
    %get3A = arith.constant 0 : index
    %get3A_0 = arith.constant 0 : index
    %get3A_1 = vector.load %arg3[%get3A, %get3A_0] : memref<256x128xf32, #tpu.memory_space<vmem>>, vector<128x128xf32>
    %get3A_2 = arith.constant 128 : index
    %get3A_3 = arith.constant 0 : index
    %get3A_4 = vector.load %arg3[%get3A_2, %get3A_3] : memref<256x128xf32, #tpu.memory_space<vmem>>, vector<128x128xf32>
    %get3A_5 = arith.constant 0 : index
    %get3A_6 = arith.constant 0 : index
    %get3A_7 = vector.load %arg1[%get3A_5, %get3A_6] : memref<4096x128xf32, #tpu.memory_space<vmem>>, vector<4096x128xf32>
    %dot_general3A = arith.constant dense<0.000000e+00> : vector<4096x128xf32>
    %dot_general3A_8 = tpu.matmul %get3A_7, %get3A_1, %dot_general3A {dimension_numbers = #tpu.dot_dimension_numbers<[1], [0], [0], [1], [0, 0, 1, 1], [], []>, transpose_lhs_hint = false} : vector<4096x128xf32>, vector<128x128xf32>, vector<4096x128xf32> -> vector<4096x128xf32>
    %get3A_9 = arith.constant 0 : index
    %get3A_10 = arith.constant 0 : index
    %get3A_11 = vector.load %arg2[%get3A_9, %get3A_10] : memref<4096x128xf32, #tpu.memory_space<vmem>>, vector<4096x128xf32>
    %dot_general3A_12 = arith.constant dense<0.000000e+00> : vector<4096x128xf32>
    %dot_general3A_13 = tpu.matmul %get3A_11, %get3A_4, %dot_general3A_12 {dimension_numbers = #tpu.dot_dimension_numbers<[1], [0], [0], [1], [0, 0, 1, 1], [], []>, transpose_lhs_hint = false} : vector<4096x128xf32>, vector<128x128xf32>, vector<4096x128xf32> -> vector<4096x128xf32>
    %add3A = arith.addf %dot_general3A_8, %dot_general3A_13 : vector<4096x128xf32>
    %get3A_14 = arith.constant 0 : index
    %get3A_15 = arith.constant 0 : index
    %get3A_16 = vector.load %arg4[%get3A_14, %get3A_15] : memref<1x128xf32, #tpu.memory_space<vmem>>, vector<1x128xf32>
    %add3A_17 = vector.broadcast %get3A_16 : vector<1x128xf32> to vector<4096x128xf32>
    %add3A_18 = arith.addf %add3A, %add3A_17 : vector<4096x128xf32>
    %swap3A = arith.constant 0 : index
    %swap3A_19 = arith.constant 0 : index
    %swap3A_20 = vector.load %arg6[%swap3A, %swap3A_19] : memref<4096x128xf32, #tpu.memory_space<vmem>>, vector<4096x128xf32>
    tpu.vector_store %arg6[%swap3A, %swap3A_19], %add3A_18 {strides = array<i32>} : memref<4096x128xf32, #tpu.memory_space<vmem>>, vector<4096x128xf32>,
    return
  }
  func.func @transform_0(%arg0: i32) -> (i32, i32) {
    %c0_i32 = arith.constant 0 : i32
    %c0_i32_0 = arith.constant 0 : i32
    return %arg0, %c0_i32 : i32, i32
  }
  func.func @transform_1(%arg0: i32) -> (i32, i32) {
    %c0_i32 = arith.constant 0 : i32
    %c0_i32_0 = arith.constant 0 : i32
    return %arg0, %c0_i32 : i32, i32
  }
  func.func @transform_2(%arg0: i32) -> (i32, i32) {
    %c0_i32 = arith.constant 0 : i32
    %c0_i32_0 = arith.constant 0 : i32
    %c0_i32_1 = arith.constant 0 : i32
    return %c0_i32, %c0_i32_0 : i32, i32
  }
  func.func @transform_3(%arg0: i32) -> (i32, i32) {
    %c0_i32 = arith.constant 0 : i32
    %c0_i32_0 = arith.constant 0 : i32
    %c0_i32_1 = arith.constant 0 : i32
    return %c0_i32, %c0_i32_0 : i32, i32
  }
  func.func @transform_5(%arg0: i32) -> (i32, i32) {
    %add3A = arith.constant 2 : i32
    %add3A_0 = arith.addi %add3A, %arg0 : i32
    %c0_i32 = arith.constant 0 : i32
    %c0_i32_1 = arith.constant 0 : i32
    return %add3A_0, %c0_i32 : i32, i32
  }
}

module attributes {stable_mosaic.version = 14 : i64} {
  func.func @_mm_body_alias(%arg0: i32, %arg1: memref<4096x128xf32, #tpu.memory_space<vmem>>, %arg2: memref<4096x128xf32, #tpu.memory_space<vmem>>, %arg3: memref<256x128xf32, #tpu.memory_space<vmem>>, %arg4: memref<1x128xf32, #tpu.memory_space<vmem>>, %arg5: memref<16384x128xf32, #tpu.memory_space<any>>, %arg6: memref<4096x128xf32, #tpu.memory_space<vmem>>) attributes {dimension_semantics = [#tpu.dimension_semantics<arbitrary>], iteration_bounds = array<i64: 1>, scalar_prefetch = 0 : i64, scratch_operands = 0 : i64, tpu.core_type = #tpu.core_type<tc>, window_params = [{transform_indices = @transform_0, window_bounds = array<i64: 4096, 128>}, {transform_indices = @transform_1, window_bounds = array<i64: 4096, 128>}, {pipeline_mode = #tpu.pipeline_mode<synchronous>, transform_indices = @transform_2, window_bounds = array<i64: 256, 128>}, {pipeline_mode = #tpu.pipeline_mode<synchronous>, transform_indices = @transform_3, window_bounds = array<i64: 1, 128>}, {}, {transform_indices = @transform_5, window_bounds = array<i64: 4096, 128>}]} {
    %get3A = arith.constant 0 : index
    %get3A_0 = arith.constant 0 : index
    %get3A_1 = vector.load %arg3[%get3A, %get3A_0] : memref<256x128xf32, #tpu.memory_space<vmem>>, vector<128x128xf32>
    %get3A_2 = arith.constant 128 : index
    %get3A_3 = arith.constant 0 : index
    %get3A_4 = vector.load %arg3[%get3A_2, %get3A_3] : memref<256x128xf32, #tpu.memory_space<vmem>>, vector<128x128xf32>
    %get3A_5 = arith.constant 0 : index
    %get3A_6 = arith.constant 0 : index
    %get3A_7 = vector.load %arg1[%get3A_5, %get3A_6] : memref<4096x128xf32, #tpu.memory_space<vmem>>, vector<4096x128xf32>
    %dot_general3A = arith.constant dense<0.000000e+00> : vector<4096x128xf32>
    %dot_general3A_8 = tpu.matmul %get3A_7, %get3A_1, %dot_general3A {dimension_numbers = #tpu.dot_dimension_numbers<[1], [0], [0], [1], [0, 0, 1, 1], [], []>, transpose_lhs_hint = false} : vector<4096x128xf32>, vector<128x128xf32>, vector<4096x128xf32> -> vector<4096x128xf32>
    %get3A_9 = arith.constant 0 : index
    %get3A_10 = arith.constant 0 : index
    %get3A_11 = vector.load %arg2[%get3A_9, %get3A_10] : memref<4096x128xf32, #tpu.memory_space<vmem>>, vector<4096x128xf32>
    %dot_general3A_12 = arith.constant dense<0.000000e+00> : vector<4096x128xf32>
    %dot_general3A_13 = tpu.matmul %get3A_11, %get3A_4, %dot_general3A_12 {dimension_numbers = #tpu.dot_dimension_numbers<[1], [0], [0], [1], [0, 0, 1, 1], [], []>, transpose_lhs_hint = false} : vector<4096x128xf32>, vector<128x128xf32>, vector<4096x128xf32> -> vector<4096x128xf32>
    %add3A = arith.addf %dot_general3A_8, %dot_general3A_13 : vector<4096x128xf32>
    %get3A_14 = arith.constant 0 : index
    %get3A_15 = arith.constant 0 : index
    %get3A_16 = vector.load %arg4[%get3A_14, %get3A_15] : memref<1x128xf32, #tpu.memory_space<vmem>>, vector<1x128xf32>
    %add3A_17 = vector.broadcast %get3A_16 : vector<1x128xf32> to vector<4096x128xf32>
    %add3A_18 = arith.addf %add3A, %add3A_17 : vector<4096x128xf32>
    %swap3A = arith.constant 0 : index
    %swap3A_19 = arith.constant 0 : index
    %swap3A_20 = vector.load %arg6[%swap3A, %swap3A_19] : memref<4096x128xf32, #tpu.memory_space<vmem>>, vector<4096x128xf32>
    tpu.vector_store %arg6[%swap3A, %swap3A_19], %add3A_18 {strides = array<i32>} : memref<4096x128xf32, #tpu.memory_space<vmem>>, vector<4096x128xf32>,
    return
  }
  func.func @transform_0(%arg0: i32) -> (i32, i32) {
    %c0_i32 = arith.constant 0 : i32
    %c0_i32_0 = arith.constant 0 : i32
    return %arg0, %c0_i32 : i32, i32
  }
  func.func @transform_1(%arg0: i32) -> (i32, i32) {
    %c0_i32 = arith.constant 0 : i32
    %c0_i32_0 = arith.constant 0 : i32
    return %arg0, %c0_i32 : i32, i32
  }
  func.func @transform_2(%arg0: i32) -> (i32, i32) {
    %c0_i32 = arith.constant 0 : i32
    %c0_i32_0 = arith.constant 0 : i32
    %c0_i32_1 = arith.constant 0 : i32
    return %c0_i32, %c0_i32_0 : i32, i32
  }
  func.func @transform_3(%arg0: i32) -> (i32, i32) {
    %c0_i32 = arith.constant 0 : i32
    %c0_i32_0 = arith.constant 0 : i32
    %c0_i32_1 = arith.constant 0 : i32
    return %c0_i32, %c0_i32_0 : i32, i32
  }
  func.func @transform_5(%arg0: i32) -> (i32, i32) {
    %add3A = arith.constant 1 : i32
    %add3A_0 = arith.addi %add3A, %arg0 : i32
    %c0_i32 = arith.constant 0 : i32
    %c0_i32_1 = arith.constant 0 : i32
    return %add3A_0, %c0_i32 : i32, i32
  }
}

module attributes {stable_mosaic.version = 14 : i64} {
  func.func @_mm_body(%arg0: i32, %arg1: memref<4096x128xf32, #tpu.memory_space<vmem>>, %arg2: memref<4096x128xf32, #tpu.memory_space<vmem>>, %arg3: memref<256x128xf32, #tpu.memory_space<vmem>>, %arg4: memref<1x128xf32, #tpu.memory_space<vmem>>, %arg5: memref<4096x128xf32, #tpu.memory_space<vmem>>) attributes {dimension_semantics = [#tpu.dimension_semantics<arbitrary>], iteration_bounds = array<i64: 1>, scalar_prefetch = 0 : i64, scratch_operands = 0 : i64, tpu.core_type = #tpu.core_type<tc>, window_params = [{transform_indices = @transform_0, window_bounds = array<i64: 4096, 128>}, {transform_indices = @transform_1, window_bounds = array<i64: 4096, 128>}, {pipeline_mode = #tpu.pipeline_mode<synchronous>, transform_indices = @transform_2, window_bounds = array<i64: 256, 128>}, {pipeline_mode = #tpu.pipeline_mode<synchronous>, transform_indices = @transform_3, window_bounds = array<i64: 1, 128>}, {transform_indices = @transform_4, window_bounds = array<i64: 4096, 128>}]} {
    %get3A = arith.constant 0 : index
    %get3A_0 = arith.constant 0 : index
    %get3A_1 = vector.load %arg3[%get3A, %get3A_0] : memref<256x128xf32, #tpu.memory_space<vmem>>, vector<128x128xf32>
    %get3A_2 = arith.constant 128 : index
    %get3A_3 = arith.constant 0 : index
    %get3A_4 = vector.load %arg3[%get3A_2, %get3A_3] : memref<256x128xf32, #tpu.memory_space<vmem>>, vector<128x128xf32>
    %get3A_5 = arith.constant 0 : index
    %get3A_6 = arith.constant 0 : index
    %get3A_7 = vector.load %arg1[%get3A_5, %get3A_6] : memref<4096x128xf32, #tpu.memory_space<vmem>>, vector<4096x128xf32>
    %dot_general3A = arith.constant dense<0.000000e+00> : vector<4096x128xf32>
    %dot_general3A_8 = tpu.matmul %get3A_7, %get3A_1, %dot_general3A {dimension_numbers = #tpu.dot_dimension_numbers<[1], [0], [0], [1], [0, 0, 1, 1], [], []>, transpose_lhs_hint = false} : vector<4096x128xf32>, vector<128x128xf32>, vector<4096x128xf32> -> vector<4096x128xf32>
    %get3A_9 = arith.constant 0 : index
    %get3A_10 = arith.constant 0 : index
    %get3A_11 = vector.load %arg2[%get3A_9, %get3A_10] : memref<4096x128xf32, #tpu.memory_space<vmem>>, vector<4096x128xf32>
    %dot_general3A_12 = arith.constant dense<0.000000e+00> : vector<4096x128xf32>
    %dot_general3A_13 = tpu.matmul %get3A_11, %get3A_4, %dot_general3A_12 {dimension_numbers = #tpu.dot_dimension_numbers<[1], [0], [0], [1], [0, 0, 1, 1], [], []>, transpose_lhs_hint = false} : vector<4096x128xf32>, vector<128x128xf32>, vector<4096x128xf32> -> vector<4096x128xf32>
    %add3A = arith.addf %dot_general3A_8, %dot_general3A_13 : vector<4096x128xf32>
    %get3A_14 = arith.constant 0 : index
    %get3A_15 = arith.constant 0 : index
    %get3A_16 = vector.load %arg4[%get3A_14, %get3A_15] : memref<1x128xf32, #tpu.memory_space<vmem>>, vector<1x128xf32>
    %add3A_17 = vector.broadcast %get3A_16 : vector<1x128xf32> to vector<4096x128xf32>
    %add3A_18 = arith.addf %add3A, %add3A_17 : vector<4096x128xf32>
    %swap3A = arith.constant 0 : index
    %swap3A_19 = arith.constant 0 : index
    %swap3A_20 = vector.load %arg5[%swap3A, %swap3A_19] : memref<4096x128xf32, #tpu.memory_space<vmem>>, vector<4096x128xf32>
    tpu.vector_store %arg5[%swap3A, %swap3A_19], %add3A_18 {strides = array<i32>} : memref<4096x128xf32, #tpu.memory_space<vmem>>, vector<4096x128xf32>,
    return
  }
  func.func @transform_0(%arg0: i32) -> (i32, i32) {
    %c0_i32 = arith.constant 0 : i32
    %c0_i32_0 = arith.constant 0 : i32
    return %arg0, %c0_i32 : i32, i32
  }
  func.func @transform_1(%arg0: i32) -> (i32, i32) {
    %c0_i32 = arith.constant 0 : i32
    %c0_i32_0 = arith.constant 0 : i32
    return %arg0, %c0_i32 : i32, i32
  }
  func.func @transform_2(%arg0: i32) -> (i32, i32) {
    %c0_i32 = arith.constant 0 : i32
    %c0_i32_0 = arith.constant 0 : i32
    %c0_i32_1 = arith.constant 0 : i32
    return %c0_i32, %c0_i32_0 : i32, i32
  }
  func.func @transform_3(%arg0: i32) -> (i32, i32) {
    %c0_i32 = arith.constant 0 : i32
    %c0_i32_0 = arith.constant 0 : i32
    %c0_i32_1 = arith.constant 0 : i32
    return %c0_i32, %c0_i32_0 : i32, i32
  }
  func.func @transform_4(%arg0: i32) -> (i32, i32) {
    %add3A = arith.constant 0 : i32
    %add3A_0 = arith.addi %add3A, %arg0 : i32
    %c0_i32 = arith.constant 0 : i32
    %c0_i32_1 = arith.constant 0 : i32
    return %add3A_0, %c0_i32 : i32, i32
  }
}

module attributes {stable_mosaic.version = 14 : i64} {
  func.func @_mm_body_alias(%arg0: i32, %arg1: memref<4096x128xf32, #tpu.memory_space<vmem>>, %arg2: memref<4096x128xf32, #tpu.memory_space<vmem>>, %arg3: memref<256x128xf32, #tpu.memory_space<vmem>>, %arg4: memref<1x128xf32, #tpu.memory_space<vmem>>, %arg5: memref<16384x128xf32, #tpu.memory_space<any>>, %arg6: memref<4096x128xf32, #tpu.memory_space<vmem>>) attributes {dimension_semantics = [#tpu.dimension_semantics<arbitrary>], iteration_bounds = array<i64: 1>, scalar_prefetch = 0 : i64, scratch_operands = 0 : i64, tpu.core_type = #tpu.core_type<tc>, window_params = [{transform_indices = @transform_0, window_bounds = array<i64: 4096, 128>}, {transform_indices = @transform_1, window_bounds = array<i64: 4096, 128>}, {pipeline_mode = #tpu.pipeline_mode<synchronous>, transform_indices = @transform_2, window_bounds = array<i64: 256, 128>}, {pipeline_mode = #tpu.pipeline_mode<synchronous>, transform_indices = @transform_3, window_bounds = array<i64: 1, 128>}, {}, {transform_indices = @transform_5, window_bounds = array<i64: 4096, 128>}]} {
    %get3A = arith.constant 0 : index
    %get3A_0 = arith.constant 0 : index
    %get3A_1 = vector.load %arg3[%get3A, %get3A_0] : memref<256x128xf32, #tpu.memory_space<vmem>>, vector<128x128xf32>
    %get3A_2 = arith.constant 128 : index
    %get3A_3 = arith.constant 0 : index
    %get3A_4 = vector.load %arg3[%get3A_2, %get3A_3] : memref<256x128xf32, #tpu.memory_space<vmem>>, vector<128x128xf32>
    %get3A_5 = arith.constant 0 : index
    %get3A_6 = arith.constant 0 : index
    %get3A_7 = vector.load %arg1[%get3A_5, %get3A_6] : memref<4096x128xf32, #tpu.memory_space<vmem>>, vector<4096x128xf32>
    %dot_general3A = arith.constant dense<0.000000e+00> : vector<4096x128xf32>
    %dot_general3A_8 = tpu.matmul %get3A_7, %get3A_1, %dot_general3A {dimension_numbers = #tpu.dot_dimension_numbers<[1], [0], [0], [1], [0, 0, 1, 1], [], []>, transpose_lhs_hint = false} : vector<4096x128xf32>, vector<128x128xf32>, vector<4096x128xf32> -> vector<4096x128xf32>
    %get3A_9 = arith.constant 0 : index
    %get3A_10 = arith.constant 0 : index
    %get3A_11 = vector.load %arg2[%get3A_9, %get3A_10] : memref<4096x128xf32, #tpu.memory_space<vmem>>, vector<4096x128xf32>
    %dot_general3A_12 = arith.constant dense<0.000000e+00> : vector<4096x128xf32>
    %dot_general3A_13 = tpu.matmul %get3A_11, %get3A_4, %dot_general3A_12 {dimension_numbers = #tpu.dot_dimension_numbers<[1], [0], [0], [1], [0, 0, 1, 1], [], []>, transpose_lhs_hint = false} : vector<4096x128xf32>, vector<128x128xf32>, vector<4096x128xf32> -> vector<4096x128xf32>
    %add3A = arith.addf %dot_general3A_8, %dot_general3A_13 : vector<4096x128xf32>
    %get3A_14 = arith.constant 0 : index
    %get3A_15 = arith.constant 0 : index
    %get3A_16 = vector.load %arg4[%get3A_14, %get3A_15] : memref<1x128xf32, #tpu.memory_space<vmem>>, vector<1x128xf32>
    %add3A_17 = vector.broadcast %get3A_16 : vector<1x128xf32> to vector<4096x128xf32>
    %add3A_18 = arith.addf %add3A, %add3A_17 : vector<4096x128xf32>
    %swap3A = arith.constant 0 : index
    %swap3A_19 = arith.constant 0 : index
    %swap3A_20 = vector.load %arg6[%swap3A, %swap3A_19] : memref<4096x128xf32, #tpu.memory_space<vmem>>, vector<4096x128xf32>
    tpu.vector_store %arg6[%swap3A, %swap3A_19], %add3A_18 {strides = array<i32>} : memref<4096x128xf32, #tpu.memory_space<vmem>>, vector<4096x128xf32>,
    return
  }
  func.func @transform_0(%arg0: i32) -> (i32, i32) {
    %c0_i32 = arith.constant 0 : i32
    %c0_i32_0 = arith.constant 0 : i32
    return %arg0, %c0_i32 : i32, i32
  }
  func.func @transform_1(%arg0: i32) -> (i32, i32) {
    %c0_i32 = arith.constant 0 : i32
    %c0_i32_0 = arith.constant 0 : i32
    return %arg0, %c0_i32 : i32, i32
  }
  func.func @transform_2(%arg0: i32) -> (i32, i32) {
    %c0_i32 = arith.constant 0 : i32
    %c0_i32_0 = arith.constant 0 : i32
    %c0_i32_1 = arith.constant 0 : i32
    return %c0_i32, %c0_i32_0 : i32, i32
  }
  func.func @transform_3(%arg0: i32) -> (i32, i32) {
    %c0_i32 = arith.constant 0 : i32
    %c0_i32_0 = arith.constant 0 : i32
    %c0_i32_1 = arith.constant 0 : i32
    return %c0_i32, %c0_i32_0 : i32, i32
  }
  func.func @transform_5(%arg0: i32) -> (i32, i32) {
    %add3A = arith.constant 3 : i32
    %add3A_0 = arith.addi %add3A, %arg0 : i32
    %c0_i32 = arith.constant 0 : i32
    %c0_i32_1 = arith.constant 0 : i32
    return %add3A_0, %c0_i32 : i32, i32
  }
}

</mosaic_0001>

<sc_bundles>
// kernel: kernel.10.cloned.1.call-start
scs
__scs_entry_jumppad:
0x0: {  	(pc) =	sbr.rel $0x88, $3  }
0x1: {  	(tag) =	ssettag $0x0;
	lr =	simm.s32 $0x1  }
0x2: {  	[smem:$0x3F9B] =	sst lr;
	_ =	strace $0xD0000000  }
0x3: {  	_ = 	snop  }
0x4: {  	_ = 	snop  }
0x5: {  	_ = 	snop  }
0x6: {  	_ = 	snop  }
0x7: {  	_ = 	snop  }
__scs_overlays_trampoline_lowered:
0x8: {  	[smem:$0x3FAA] =	sst s0  }
0x9: {  	[smem:$0x3FAB] =	sst s1  }
0xa: {  	[smem:$0x3FAC] =	sst s2  }
0xb: {  	[smem:$0x3FAD] =	sst s3  }
0xc: {  	[smem:$0x3FAE] =	sst s4  }
0xd: {  	[smem:$0x3FAF] =	sst s5  }
0xe: {  	[smem:$0x3FB0] =	sst s6  }
0xf: {  	[smem:$0x3FB1] =	sst s7  }
0x10: {  	[smem:$0x3FB2] =	sst s8  }
0x11: {  	[smem:$0x3FB3] =	sst s9;
	s0 =	simm.s32 @!p0 $0x0  }
0x12: {  	s1 =	sld [smem:$0x3F99];
	s0 =	simm.s32 @p0 $0x1  }
0x13: {  	[smem:$0x3FB4] =	sst s0;
	s0 =	simm.s32 @!p1 $0x0  }
0x14: {  	s2 =	sld [smem:$0x3F98];
	s0 =	simm.s32 @p1 $0x1  }
0x15: {  	[smem:$0x3FB5] =	sst s0;
	s0 =	simm.s32 @!p2 $0x0  }
0x16: {  	s3 =	sld [smem:$0x3FDB];
	s0 =	simm.s32 @p2 $0x1  }
0x17: {  	s4 =	simm.s32 $0x1BF5;
	[smem:$0x3FB7] =	sst s0  }
0x18: {  	s0 =	sld [smem:$0x3F9A];
	_ =	swait.ge [sflag:s4], $0x0  }
0x19: {  	s7 =	sld [smem:$0x3F9B]  }
0x1a: {  	s8 =	sadd.s32 $0xFFFFE003, lr  }
0x1b: {  	s9 =	sadd.s32 $0xFFFFFEF7, lr;
	s5 =	simm.s32 $0xFFFFFFFF;
	p2 =	slt.u32 s8, $0xFFFFF086  }
0x1c: {  	p1 =	slt.u32 s9, $0xF7A;
	s5 =	simm.s32 @!p2 $0x0  }
0x1d: {  	s5 =	simm.s32 @p1 $0x1;
	p0 =	seq.s32 s7, s2  }
0x1e: {  	s7 =	smul.u32 @!p0 $0xF7A, s2;
	p2 =	seq.s32 @!p0 s5, $0x0  }
0x1f: {  	s9 =	smul.u32 $0xF7A, s1;
	s8 =	simm.s32 @!p0 $0x1BF5;
	p2 =	por !p2, p0  }
0x20: {  	[sflag:s8] =	ssyncset.s32 @!p0 $0xFFFFF086;
	s6 =	sadd.s32 @!p0 s3, s7;
	s7 =	simm.s32 @!p0 $0x108  }
0x21: {  	s3 =	sadd.s32 s3, s9;
	s6 =	sadd.s32 @!p0 $0x88, s6;
	s7 =	simm.s32 @p2 $0x1082  }
0x22: {  	[simem:s7], [sflag:s8] =	dma.local @!p0 [hbm:s6], $0xF7A  }
0x23: {  	s9 =	sor.u32 $0xD0000000, s2;
	s6 =	simm.s32 $0x108;
	_ =	swait.ge @!p0 [sflag:s8], $0x0  }
0x24: {  	s3 =	sadd.s32 $0x88, s3;
	s6 =	simm.s32 @!p1 $0x1082;
	[sflag:s4] =	ssyncset.s32 $0xFFFFF086  }
0x25: {  	[simem:s6], [sflag:s4] =	dma.local [hbm:s3], $0xF7A  }
0x26: {  	[smem:$0x3F9B] =	sst s1;
	(tag) =	ssettag s2;
	_ =	strace s9  }
0x27: {  	s1 =	sld [smem:$0x3FAB]  }
0x28: {  	s2 =	sld [smem:$0x3FAC]  }
0x29: {  	s4 =	sld [smem:$0x3FAE]  }
0x2a: {  	p0 =	seq.s32 s5, $0x0;
	s5 =	sld [smem:$0x3FAF]  }
0x2b: {  	s6 =	sld [smem:$0x3FB0]  }
0x2c: {  	s7 =	sld [smem:$0x3FB1]  }
0x2d: {  	s3 =	simm.s32 $0x108;
	s8 =	sld [smem:$0x3FB2]  }
0x2e: {  	s3 =	simm.s32 @!p0 $0x1082;
	s9 =	sld [smem:$0x3FB3]  }
0x2f: {  	lr =	sadd.s32 s0, s3;
	s0 =	sld [smem:$0x3FAA]  }
0x30: {  	s3 =	sld [smem:$0x3FAD]  }
0x31: {  	[smem:$0x3FB6] =	sst s10  }
0x32: {  	s10 =	sld [smem:$0x3FB4];
	_ =	sdelay $0x3  }
0x33: {  	p0 =	seq.s32 s10, $0x1;
	s10 =	sld [smem:$0x3FB6];
	_ =	sdelay $0x3  }
0x34: {  	[smem:$0x3FB6] =	sst s10  }
0x35: {  	s10 =	sld [smem:$0x3FB5];
	_ =	sdelay $0x3  }
0x36: {  	p1 =	seq.s32 s10, $0x1;
	s10 =	sld [smem:$0x3FB6];
	_ =	sdelay $0x3  }
0x37: {  	[smem:$0x3FB6] =	sst s10  }
0x38: {  	s10 =	sld [smem:$0x3FB7]  }
0x39: {  	_ = 	snop;
	(pc) =	sbr.ind lr, $3  }
0x3a: {  	_ = 	snop  }
0x3b: {  	_ = 	snop  }
0x3c: {  	p2 =	seq.s32 s10, $0x1;
	s10 =	sld [smem:$0x3FB6]  }
0x3d: {  	_ =	shalt  }
0x3e: {  	_ =	shalt  }
0x3f: {  	_ =	shalt  }
0x40: {  	_ =	shalt  }
0x41: {  	_ =	shalt  }
0x42: {  	_ =	shalt  }
0x43: {  	_ =	shalt  }
0x44: {  	_ =	shalt  }
0x45: {  	_ =	shalt  }
0x46: {  	_ =	shalt  }
0x47: {  	_ =	shalt  }
0x48: {  	_ =	shalt  }
0x49: {  	_ =	shalt  }
0x4a: {  	_ =	shalt  }
0x4b: {  	_ =	shalt  }
0x4c: {  	_ =	shalt  }
0x4d: {  	_ =	shalt  }
0x4e: {  	_ =	shalt  }
0x4f: {  	_ =	shalt  }
0x50: {  	_ =	shalt  }
0x51: {  	_ =	shalt  }
0x52: {  	_ =	shalt  }
0x53: {  	_ =	shalt  }
0x54: {  	_ =	shalt  }
0x55: {  	_ =	shalt  }
0x56: {  	_ =	shalt  }
0x57: {  	_ =	shalt  }
0x58: {  	_ =	shalt  }
0x59: {  	_ =	shalt  }
0x5a: {  	_ =	shalt  }
0x5b: {  	_ =	shalt  }
0x5c: {  	_ =	shalt  }
0x5d: {  	_ =	shalt  }
0x5e: {  	_ =	shalt  }
0x5f: {  	_ =	shalt  }
0x60: {  	_ =	shalt  }
0x61: {  	_ =	shalt  }
0x62: {  	_ =	shalt  }
0x63: {  	_ =	shalt  }
0x64: {  	_ =	shalt  }
0x65: {  	_ =	shalt  }
0x66: {  	_ =	shalt  }
0x67: {  	_ =	shalt  }
0x68: {  	_ =	shalt  }
0x69: {  	_ =	shalt  }
0x6a: {  	_ =	shalt  }
0x6b: {  	_ =	shalt  }
0x6c: {  	_ =	shalt  }
0x6d: {  	_ =	shalt  }
0x6e: {  	_ =	shalt  }
0x6f: {  	_ =	shalt  }
0x70: {  	_ =	shalt  }
0x71: {  	_ =	shalt  }
0x72: {  	_ =	shalt  }
0x73: {  	_ =	shalt  }
0x74: {  	_ =	shalt  }
0x75: {  	_ =	shalt  }
0x76: {  	_ =	shalt  }
0x77: {  	_ =	shalt  }
0x78: {  	_ =	shalt  }
0x79: {  	_ =	shalt  }
0x7a: {  	_ =	shalt  }
0x7b: {  	_ =	shalt  }
0x7c: {  	_ =	shalt  }
0x7d: {  	_ =	shalt  }
0x7e: {  	_ =	shalt  }
0x7f: {  	_ =	shalt  }
0x80: {  	_ =	shalt  }
0x81: {  	_ =	shalt  }
0x82: {  	_ =	shalt  }
0x83: {  	_ =	shalt  }
0x84: {  	_ =	shalt  }
0x85: {  	_ =	shalt  }
0x86: {  	_ =	shalt  }
0x87: {  	_ =	shalt  }
.Lfunc_end0:
.L_simem_size_0:
called_computation_lowered:
.L_overlay_start_0:
0x88: {  	s2 =	sld [smem:$0x3FD9]  }
0x89: {  	s3 =	sld [smem:$0x3FFE];
	_ =	sdelay $0x1  }
0x8a: {  	s1 =	srdreg.scid  }
0x8b: {  	s0 =	sand.u32 $0x1, s1  }
0x8c: {  	s17 =	sshll.u32 s0, $0xA;
	s2 =	sadd.s32 s3, s2  }
0x8d: {  	s2 =	sadd.s32 s2, s17  }
0x8e: {  	[smem:$0x3FC2] =	sst s2  }
0x8f: {  	_ = 	snop  }
0x90: {  	s2 =	sld [smem:$0x3FC7]  }
0x91: {  	s18 =	sld [smem:$0x3FC6]  }
0x92: {  	s4 =	sld [smem:$0x3FD0];
	(tm) =	ssettm $0x1  }
0x93: {  	s5 =	sld [smem:$0x3FFB];
	_ =	sdelay $0x3  }
0x94: {  	_ =	strace s5  }
0x95: {  	s5 =	sld [smem:$0x3FFC];
	_ =	sdelay $0x3  }
0x96: {  	_ =	strace s5  }
0x97: {  	s5 =	sld [smem:$0x3FFD];
	_ =	sdelay $0x3  }
0x98: {  	_ =	strace s5  }
0x99: {  	_ =	strace $0x8FFFFFFF  }
0x9a: {  	s19 =	sld [smem:$0x3FDB];
	_ =	sdelay $0x1  }
0x9b: {  	s6 =	simm.s32 $_scs_section_size  }
0x9c: {  	s7 =	simm.s32 $_size__tile_overlayer_lowered;
	s8 =	simm.s32 $_tile_overlayer_lowered  }
0x9d: {  	s22 =	simm.s32 $0x1BFF;
	s21 =	sshll.u32 s8, $0x1;
	s5 =	sadd.s32 s6, s19  }
0x9e: {  	s9 =	simm.s32 $0x0;
	s20 =	sshll.u32 s7, $0x1;
	s7 =	sadd.s32 s21, s5  }
0x9f: {  	[timem:s9], [sflag:s22] =	dma.local [hbm:s7], s20  }
0xa0: {  	_ =	swait.ge [sflag:s22], s20  }
0xa1: {  	s6 =	ssub.s32 $0x0, s20;
	[sflag:s22] =	ssyncset.done $0x0  }
0xa2: {  	[sflag:s22] =	ssyncadd.s32 s6;
	_ =	sdelay $0x1  }
0xa3: {  	s23 =	simm.s32 $0x1B8B  }
0xa4: {  	_ =	swait.ge [sflag:s23], $0x1  }
0xa5: {  	[sflag:s23] =	ssyncset.done $0x0  }
0xa6: {  	s25 =	simm.s32 $0x1B8E;
	s24 =	sld [smem:$0x3FFE];
	[sflag:s23] =	ssyncadd.s32 $0xFFFFFFFF  }
0xa7: {  	s26 =	simm.s32 $execute0_lowered;
	[smem:$0x3FD2] =	sst s25  }
0xa8: {  	s7 =	sshll.u32 s26, $0x1;
	_ =	strace $0x80000046;
	[dreg:$0x1] =	wrdreg $0xFFFFFFFF  }
0xa9: {  	s28 =	simm.s32 $_size_execute0_lowered;
	s5 =	sadd.s32 s5, s7;
	[dreg:$0x0] =	wrdreg $0x0  }
0xaa: {  	s7 =	sshll.u32 s28, $0x1;
	[dreg:$0x2] =	wrdreg s5  }
0xab: {  	[dreg:$0x3] =	wrdreg s7  }
0xac: {  	[dreg:$0x4] =	wrdreg $0xC0  }
0xad: {  	_ =	task [dreg:s9], $0x5FFFF  }
0xae: {  	[dreg:$0x1] =	wrdreg $0xFFFFFFFF  }
0xaf: {  	[dreg:$0x0] =	wrdreg $0x60  }
0xb0: {  	[dreg:$0x2] =	wrdreg s24  }
0xb1: {  	[dreg:$0x3] =	wrdreg s2  }
0xb2: {  	[dreg:$0x4] =	wrdreg s18  }
0xb3: {  	[dreg:$0x5] =	wrdreg s4  }
0xb4: {  	[dreg:$0x6] =	wrdreg $0x9  }
0xb5: {  	_ =	task.clear_ibuf [dreg:s9], $0x7FFFF;
	_ =	strace $0x90000046  }
0xb6: {  	s29 =	simm.s32 $0x9;
	_ =	strace $0x80000048  }
0xb7: {  	_ =	swait.ge [sflag:s29], $0x1  }
0xb8: {  	[sflag:s29] =	ssyncadd.s32 $0xFFFFFFFF  }
0xb9: {  	_ =	strace $0x90000048  }
0xba: {  	_ =	sfence  }
0xbb: {  	s30 =	sld [smem:$0x0];
	_ =	sdelay $0x2  }
0xbc: {  	s31 =	sshll.u32 s1, $0xD;
	s1 =	sshrl.u32 s1, $0x2  }
0xbd: {  	s3 =	sand.u32 $0x4000, s31;
	s1 =	sadd.s32 s1, s30  }
0xbe: {  	s0 =	sor.u32 s3, s0;
	s1 =	sshll.u32 s1, $0x11  }
0xbf: {  	s0 =	sor.u32 s1, s0  }
0xc0: {  	s0 =	sadd.s32 $0x8F2B, s0  }
0xc1: {  	[sflag:s0] =	ssyncadd.remote.s32 $0x1  }
0xc2: {  	_ =	sfence.sel $0xFFFF  }
0xc3: {  	[dreg:$0x0] =	wrdreg $0xFFFFFFFF;
	(pc) =	sbr.abs _section_cstart, $3  }
0xc4: {  	[dreg:$0x1] =	wrdreg $0xFFFFFFFF  }
0xc5: {  	_ =	task.clear_ibuf [dreg:s9], $0x2FFFF;
	_ =	strace $0x9FFFFFFF  }
0xc6: {  	(tm) =	ssettm $0x7FFFFFFF  }
0xc7: {  	_ =	shalt  }
tec
execute0_lowered:
.L_overlay_start_1:
0x0: {  	(tag) =	ssettag $0x1  }
0x1: {  	s14 =	rddreg [dreg:$0x0]  }
0x2: {  	s2 =	srdreg.scid;
	s0 =	stileid.u32  }
0x3: {  	s1 =	rddreg [dreg:$0x1];
	s15 =	sand.u32 $0x1, s2;
	s30 =	sshll.u32 s0, $0x1  }
0x4: {  	s3 =	rddreg [dreg:$0x2];
	s13 =	sor.u32 s15, s30  }
0x5: {  	s12 =	rddreg [dreg:$0x3];
	s4 =	simm.s32 $0x0;
	s5 =	sshll.u32 s13, $0x4  }
0x6: {  	s6 =	simm.s32 $0x5;
	[smem:$0x7FF] =	sst s4;
	s7 =	sadd.s32 s5, s14  }
0x7: {  	s2 =	rddreg [dreg:$0x4];
	_ =	strace $0x80000047;
	s5 =	sadd.s32 $0x3E00, s7  }
0x8: {  	[tilespmem:s4], [sflag:$0x5] =	stream.linear.gather [hbm4b:s5+s4], $0x80, $0x38;
	[tilespmem:$0x8100] =	vst v63  }
0x9: {  	_ =	swait.ge [sflag:s6], $0x80  }
0xa: {  	[sflag:s6] =	ssyncset.done $0x0  }
0xb: {  	s8 =	simm.s32 $0x80;
	s7 =	sadd.s32 $0x3C00, s7;
	[sflag:s6] =	ssyncadd.s32 $0xFFFFFF80  }
0xc: {  	[tilespmem:s8], [sflag:$0x5] =	stream.linear.gather [hbm4b:s7+s4], $0x80, $0x38;
	[tilespmem:$0x8100] =	vst v63  }
0xd: {  	_ =	swait.ge [sflag:s6], $0x80  }
0xe: {  	[sflag:s6] =	ssyncset.done $0x0  }
0xf: {  	s9 =	simm.s32 $0x100;
	[sflag:s6] =	ssyncadd.s32 $0xFFFFFF80  }
0x10: {  	[tilespmem:s9], [sflag:$0x1] =	stream.indirect.gather [hbm4b:s1+s8], $0x80, s4, s8, $0xb8;
	[tilespmem:$0x8100] =	vst v63  }
0x11: {  	s10 =	simm.s32 $0x4100;
	s11 =	simm.s32 $0x1  }
0x12: {  	[tilespmem:s10], [sflag:$0x2] =	stream.indirect.gather [hbm4b:s3+s8], $0x80, s8, s8, $0xb8;
	[tilespmem:$0x8100] =	vst v63  }
0x13: {  	s31 =	ssub.s32 $0x2, s15;
	_ =	swait.ge [sflag:s11], $0x4000  }
0x14: {  	s16 =	sshll.u32 s13, $0xB;
	s13 =	simm.s32 $0x2;
	[sflag:s11] =	ssyncset.done $0x0  }
0x15: {  	s17 =	sshrl.u32 s31, $0x1;
	s12 =	sadd.s32 s12, s16;
	[sflag:s11] =	ssyncadd.s32 $0xFFFFC000  }
0x16: {  	[hbm4b:s12+s4] =	stream.linear.scatter [tilespmem:s9], [sflag:$0x3], $0x4000, $0x38;
	[tilespmem:$0x8100] =	vst v63  }
0x17: {  	s14 =	sadd.s32 s16, s14;
	s16 =	ssub.s32 s31, s17;
	_ =	swait.ge [sflag:s13], $0x4000  }
0x18: {  	s15 =	simm.s32 $0x3;
	s17 =	smax.u32 s16, $0x1;
	[sflag:s13] =	ssyncset.done $0x0  }
0x19: {  	s14 =	sadd.s32 $0x4000, s14;
	p0 =	sne.s32 s17, $0x1;
	[sflag:s13] =	ssyncadd.s32 $0xFFFFC000  }
0x1a: {  	[hbm4b:s14+s4] =	stream.linear.scatter [tilespmem:s10], [sflag:$0x4], $0x4000, $0x38;
	[tilespmem:$0x8100] =	vst v63  }
.Ltmp0:
0x1b: {  	_ =	swait.ge [sflag:s15], $0x4000;
	(pc) =	sbr.rel @!p0 .LBB2_2-.Ltmp0, $4  }
0x1c: {  	[sflag:s15] =	ssyncset.done $0x0  }
0x1d: {  	s16 =	simm.s32 $0x4;
	[sflag:s15] =	ssyncadd.s32 $0xFFFFC000  }
0x1e: {  	_ =	swait.ge [sflag:s16], $0x4000  }
0x1f: {  	s17 =	sadd.s32 $0xFFFFFFFF, s17;
	[sflag:s16] =	ssyncset.done $0x0  }
.LBB2_1:
0x20: {  	p0 =	sne.s32 s17, $0x1;
	s17 =	sadd.s32 $0xFFFFFFFF, s17;
	[sflag:s16] =	ssyncadd.s32 $0xFFFFC000  }
0x21: {  	[tilespmem:s4], [sflag:$0x5] =	stream.linear.gather [hbm4b:s5+s4], $0x80, $0x38;
	[tilespmem:$0x8100] =	vst v63  }
0x22: {  	_ =	swait.ge [sflag:s6], $0x80  }
0x23: {  	[sflag:s6] =	ssyncset.done $0x0  }
0x24: {  	[sflag:s6] =	ssyncadd.s32 $0xFFFFFF80  }
0x25: {  	[tilespmem:s8], [sflag:$0x5] =	stream.linear.gather [hbm4b:s7+s4], $0x80, $0x38;
	[tilespmem:$0x8100] =	vst v63  }
0x26: {  	_ =	swait.ge [sflag:s6], $0x80  }
0x27: {  	[sflag:s6] =	ssyncset.done $0x0  }
0x28: {  	[sflag:s6] =	ssyncadd.s32 $0xFFFFFF80  }
0x29: {  	[tilespmem:s9], [sflag:$0x1] =	stream.indirect.gather [hbm4b:s1+s8], $0x80, s4, s8, $0xb8;
	[tilespmem:$0x8100] =	vst v63  }
0x2a: {  	_ = 	snop  }
0x2b: {  	[tilespmem:s10], [sflag:$0x2] =	stream.indirect.gather [hbm4b:s3+s8], $0x80, s8, s8, $0xb8;
	[tilespmem:$0x8100] =	vst v63  }
0x2c: {  	_ =	swait.ge [sflag:s11], $0x4000  }
0x2d: {  	[sflag:s11] =	ssyncset.done $0x0  }
0x2e: {  	[sflag:s11] =	ssyncadd.s32 $0xFFFFC000  }
0x2f: {  	[hbm4b:s12+s4] =	stream.linear.scatter [tilespmem:s9], [sflag:$0x3], $0x4000, $0x38;
	[tilespmem:$0x8100] =	vst v63  }
0x30: {  	_ =	swait.ge [sflag:s13], $0x4000  }
0x31: {  	[sflag:s13] =	ssyncset.done $0x0  }
0x32: {  	[sflag:s13] =	ssyncadd.s32 $0xFFFFC000  }
0x33: {  	[hbm4b:s14+s4] =	stream.linear.scatter [tilespmem:s10], [sflag:$0x4], $0x4000, $0x38;
	[tilespmem:$0x8100] =	vst v63  }
.Ltmp1:
0x34: {  	_ =	swait.ge [sflag:s15], $0x4000;
	(pc) =	sbr.rel @p0 .LBB2_1-.Ltmp1, $4  }
0x35: {  	[sflag:s15] =	ssyncset.done $0x0  }
0x36: {  	[sflag:s15] =	ssyncadd.s32 $0xFFFFC000  }
0x37: {  	_ =	swait.ge [sflag:s16], $0x4000  }
0x38: {  	[sflag:s16] =	ssyncset.done $0x0  }
.LBB2_2:
0x39: {  	[sflag:s16] =	ssyncadd.s32 $0xFFFFC000  }
0x3a: {  	_ =	sfence.sel $0x180000  }
0x3b: {  	[bflag:$0x0] =	sbarrier.arrive $0xFFFF  }
0x3c: {  	p0 =	sne.s32 s0, $0x0;
	_ =	strace $0x90000047  }
0x3d: {  	s0 =	sadd.s32 @!p0 $0x100000, s2;
	[bflag:$0x2] =	sbarrier.arrive $0xFFFF  }
0x3e: {  	[sflag:s0] =	ssyncadd.tile.s32 @!p0 $0x1;
	_ =	shalt  }
.Lfunc_end2:
_tile_overlayer_lowered:
.L_overlay_start_2:
0x3f: {  	(tag) =	ssettag $0x2  }
0x40: {  	s0 =	rddreg [dreg:$0x0];
	s2 =	stileid.u32  }
0x41: {  	s1 =	rddreg [dreg:$0x1];
	p0 =	sne.s32 s2, $0x0  }
0x42: {  	s3 =	rddreg [dreg:$0x2];
	[bflag:$0x3] =	sbarrier.arrive $0xFFFF;
	s2 =	simm.s32 @!p0 $0x1C05  }
0x43: {  	[timem:s3], [sflag:s2] =	dma.local @!p0 [hbm:s0], s1  }
0x44: {  	s0 =	simm.s32 @!p0 $0x5  }
0x45: {  	_ =	swait.ge @!p0 [sflag:s0], s1  }
0x46: {  	s1 =	ssub.s32 @!p0 $0x0, s1;
	[sflag:s0] =	ssyncset.done @!p0 $0x0  }
0x47: {  	[sflag:s0] =	ssyncadd.s32 @!p0 s1  }
0x48: {  	[bflag:$0x3] =	sbarrier.arrive $0xFFFF  }
0x49: {  	_ =	shalt  }

// kernel: kernel.13.cloned.1.call-start
scs
__scs_entry_jumppad:
0x0: {  	(pc) =	sbr.rel $0x88, $3  }
0x1: {  	(tag) =	ssettag $0x0;
	lr =	simm.s32 $0x1  }
0x2: {  	[smem:$0x3F9B] =	sst lr;
	_ =	strace $0xD0000000  }
0x3: {  	_ = 	snop  }
0x4: {  	_ = 	snop  }
0x5: {  	_ = 	snop  }
0x6: {  	_ = 	snop  }
0x7: {  	_ = 	snop  }
__scs_overlays_trampoline_lowered:
0x8: {  	[smem:$0x3FAA] =	sst s0  }
0x9: {  	[smem:$0x3FAB] =	sst s1  }
0xa: {  	[smem:$0x3FAC] =	sst s2  }
0xb: {  	[smem:$0x3FAD] =	sst s3  }
0xc: {  	[smem:$0x3FAE] =	sst s4  }
0xd: {  	[smem:$0x3FAF] =	sst s5  }
0xe: {  	[smem:$0x3FB0] =	sst s6  }
0xf: {  	[smem:$0x3FB1] =	sst s7  }
0x10: {  	[smem:$0x3FB2] =	sst s8  }
0x11: {  	[smem:$0x3FB3] =	sst s9;
	s0 =	simm.s32 @!p0 $0x0  }
0x12: {  	s1 =	sld [smem:$0x3F99];
	s0 =	simm.s32 @p0 $0x1  }
0x13: {  	[smem:$0x3FB4] =	sst s0;
	s0 =	simm.s32 @!p1 $0x0  }
0x14: {  	s2 =	sld [smem:$0x3F98];
	s0 =	simm.s32 @p1 $0x1  }
0x15: {  	[smem:$0x3FB5] =	sst s0;
	s0 =	simm.s32 @!p2 $0x0  }
0x16: {  	s3 =	sld [smem:$0x3FDB];
	s0 =	simm.s32 @p2 $0x1  }
0x17: {  	s4 =	simm.s32 $0x1BF5;
	[smem:$0x3FB7] =	sst s0  }
0x18: {  	s0 =	sld [smem:$0x3F9A];
	_ =	swait.ge [sflag:s4], $0x0  }
0x19: {  	s7 =	sld [smem:$0x3F9B]  }
0x1a: {  	s8 =	sadd.s32 $0xFFFFE003, lr  }
0x1b: {  	s9 =	sadd.s32 $0xFFFFFEF7, lr;
	s5 =	simm.s32 $0xFFFFFFFF;
	p2 =	slt.u32 s8, $0xFFFFF086  }
0x1c: {  	p1 =	slt.u32 s9, $0xF7A;
	s5 =	simm.s32 @!p2 $0x0  }
0x1d: {  	s5 =	simm.s32 @p1 $0x1;
	p0 =	seq.s32 s7, s2  }
0x1e: {  	s7 =	smul.u32 @!p0 $0xF7A, s2;
	p2 =	seq.s32 @!p0 s5, $0x0  }
0x1f: {  	s9 =	smul.u32 $0xF7A, s1;
	s8 =	simm.s32 @!p0 $0x1BF5;
	p2 =	por !p2, p0  }
0x20: {  	[sflag:s8] =	ssyncset.s32 @!p0 $0xFFFFF086;
	s6 =	sadd.s32 @!p0 s3, s7;
	s7 =	simm.s32 @!p0 $0x108  }
0x21: {  	s3 =	sadd.s32 s3, s9;
	s6 =	sadd.s32 @!p0 $0x88, s6;
	s7 =	simm.s32 @p2 $0x1082  }
0x22: {  	[simem:s7], [sflag:s8] =	dma.local @!p0 [hbm:s6], $0xF7A  }
0x23: {  	s9 =	sor.u32 $0xD0000000, s2;
	s6 =	simm.s32 $0x108;
	_ =	swait.ge @!p0 [sflag:s8], $0x0  }
0x24: {  	s3 =	sadd.s32 $0x88, s3;
	s6 =	simm.s32 @!p1 $0x1082;
	[sflag:s4] =	ssyncset.s32 $0xFFFFF086  }
0x25: {  	[simem:s6], [sflag:s4] =	dma.local [hbm:s3], $0xF7A  }
0x26: {  	[smem:$0x3F9B] =	sst s1;
	(tag) =	ssettag s2;
	_ =	strace s9  }
0x27: {  	s1 =	sld [smem:$0x3FAB]  }
0x28: {  	s2 =	sld [smem:$0x3FAC]  }
0x29: {  	s4 =	sld [smem:$0x3FAE]  }
0x2a: {  	p0 =	seq.s32 s5, $0x0;
	s5 =	sld [smem:$0x3FAF]  }
0x2b: {  	s6 =	sld [smem:$0x3FB0]  }
0x2c: {  	s7 =	sld [smem:$0x3FB1]  }
0x2d: {  	s3 =	simm.s32 $0x108;
	s8 =	sld [smem:$0x3FB2]  }
0x2e: {  	s3 =	simm.s32 @!p0 $0x1082;
	s9 =	sld [smem:$0x3FB3]  }
0x2f: {  	lr =	sadd.s32 s0, s3;
	s0 =	sld [smem:$0x3FAA]  }
0x30: {  	s3 =	sld [smem:$0x3FAD]  }
0x31: {  	[smem:$0x3FB6] =	sst s10  }
0x32: {  	s10 =	sld [smem:$0x3FB4];
	_ =	sdelay $0x3  }
0x33: {  	p0 =	seq.s32 s10, $0x1;
	s10 =	sld [smem:$0x3FB6];
	_ =	sdelay $0x3  }
0x34: {  	[smem:$0x3FB6] =	sst s10  }
0x35: {  	s10 =	sld [smem:$0x3FB5];
	_ =	sdelay $0x3  }
0x36: {  	p1 =	seq.s32 s10, $0x1;
	s10 =	sld [smem:$0x3FB6];
	_ =	sdelay $0x3  }
0x37: {  	[smem:$0x3FB6] =	sst s10  }
0x38: {  	s10 =	sld [smem:$0x3FB7]  }
0x39: {  	_ = 	snop;
	(pc) =	sbr.ind lr, $3  }
0x3a: {  	_ = 	snop  }
0x3b: {  	_ = 	snop  }
0x3c: {  	p2 =	seq.s32 s10, $0x1;
	s10 =	sld [smem:$0x3FB6]  }
0x3d: {  	_ =	shalt  }
0x3e: {  	_ =	shalt  }
0x3f: {  	_ =	shalt  }
0x40: {  	_ =	shalt  }
0x41: {  	_ =	shalt  }
0x42: {  	_ =	shalt  }
0x43: {  	_ =	shalt  }
0x44: {  	_ =	shalt  }
0x45: {  	_ =	shalt  }
0x46: {  	_ =	shalt  }
0x47: {  	_ =	shalt  }
0x48: {  	_ =	shalt  }
0x49: {  	_ =	shalt  }
0x4a: {  	_ =	shalt  }
0x4b: {  	_ =	shalt  }
0x4c: {  	_ =	shalt  }
0x4d: {  	_ =	shalt  }
0x4e: {  	_ =	shalt  }
0x4f: {  	_ =	shalt  }
0x50: {  	_ =	shalt  }
0x51: {  	_ =	shalt  }
0x52: {  	_ =	shalt  }
0x53: {  	_ =	shalt  }
0x54: {  	_ =	shalt  }
0x55: {  	_ =	shalt  }
0x56: {  	_ =	shalt  }
0x57: {  	_ =	shalt  }
0x58: {  	_ =	shalt  }
0x59: {  	_ =	shalt  }
0x5a: {  	_ =	shalt  }
0x5b: {  	_ =	shalt  }
0x5c: {  	_ =	shalt  }
0x5d: {  	_ =	shalt  }
0x5e: {  	_ =	shalt  }
0x5f: {  	_ =	shalt  }
0x60: {  	_ =	shalt  }
0x61: {  	_ =	shalt  }
0x62: {  	_ =	shalt  }
0x63: {  	_ =	shalt  }
0x64: {  	_ =	shalt  }
0x65: {  	_ =	shalt  }
0x66: {  	_ =	shalt  }
0x67: {  	_ =	shalt  }
0x68: {  	_ =	shalt  }
0x69: {  	_ =	shalt  }
0x6a: {  	_ =	shalt  }
0x6b: {  	_ =	shalt  }
0x6c: {  	_ =	shalt  }
0x6d: {  	_ =	shalt  }
0x6e: {  	_ =	shalt  }
0x6f: {  	_ =	shalt  }
0x70: {  	_ =	shalt  }
0x71: {  	_ =	shalt  }
0x72: {  	_ =	shalt  }
0x73: {  	_ =	shalt  }
0x74: {  	_ =	shalt  }
0x75: {  	_ =	shalt  }
0x76: {  	_ =	shalt  }
0x77: {  	_ =	shalt  }
0x78: {  	_ =	shalt  }
0x79: {  	_ =	shalt  }
0x7a: {  	_ =	shalt  }
0x7b: {  	_ =	shalt  }
0x7c: {  	_ =	shalt  }
0x7d: {  	_ =	shalt  }
0x7e: {  	_ =	shalt  }
0x7f: {  	_ =	shalt  }
0x80: {  	_ =	shalt  }
0x81: {  	_ =	shalt  }
0x82: {  	_ =	shalt  }
0x83: {  	_ =	shalt  }
0x84: {  	_ =	shalt  }
0x85: {  	_ =	shalt  }
0x86: {  	_ =	shalt  }
0x87: {  	_ =	shalt  }
.Lfunc_end0:
.L_simem_size_0:
called_computation.1_lowered:
.L_overlay_start_0:
0x88: {  	s2 =	sld [smem:$0x3FD9]  }
0x89: {  	s3 =	sld [smem:$0x3FFE];
	_ =	sdelay $0x1  }
0x8a: {  	s1 =	srdreg.scid  }
0x8b: {  	s0 =	sand.u32 $0x1, s1  }
0x8c: {  	s17 =	sshll.u32 s0, $0xA;
	s2 =	sadd.s32 s3, s2  }
0x8d: {  	s2 =	sadd.s32 s2, s17  }
0x8e: {  	[smem:$0x3FC2] =	sst s2  }
0x8f: {  	_ = 	snop  }
0x90: {  	s18 =	sld [smem:$0x3FC7]  }
0x91: {  	s4 =	sld [smem:$0x3FC6];
	(tm) =	ssettm $0x1  }
0x92: {  	s19 =	sld [smem:$0x3FFB];
	_ =	sdelay $0x3  }
0x93: {  	_ =	strace s19  }
0x94: {  	s2 =	sld [smem:$0x3FFC];
	_ =	sdelay $0x3  }
0x95: {  	_ =	strace s2  }
0x96: {  	s2 =	sld [smem:$0x3FFD];
	_ =	sdelay $0x3  }
0x97: {  	_ =	strace s2  }
0x98: {  	_ =	strace $0x8FFFFFFF  }
0x99: {  	s20 =	sld [smem:$0x3FDB];
	_ =	sdelay $0x1  }
0x9a: {  	s5 =	simm.s32 $_scs_section_size  }
0x9b: {  	s6 =	simm.s32 $_size__tile_overlayer_lowered;
	s7 =	simm.s32 $_tile_overlayer_lowered  }
0x9c: {  	s8 =	simm.s32 $0x1BFF;
	s21 =	sshll.u32 s7, $0x1;
	s5 =	sadd.s32 s5, s20  }
0x9d: {  	s22 =	simm.s32 $0x0;
	s6 =	sshll.u32 s6, $0x1;
	s7 =	sadd.s32 s21, s5  }
0x9e: {  	[timem:s22], [sflag:s8] =	dma.local [hbm:s7], s6  }
0x9f: {  	_ =	swait.ge [sflag:s8], s6  }
0xa0: {  	s6 =	ssub.s32 $0x0, s6;
	[sflag:s8] =	ssyncset.done $0x0  }
0xa1: {  	[sflag:s8] =	ssyncadd.s32 s6;
	_ =	sdelay $0x1  }
0xa2: {  	s23 =	simm.s32 $0x1B8B  }
0xa3: {  	_ =	swait.ge [sflag:s23], $0x1  }
0xa4: {  	[sflag:s23] =	ssyncset.done $0x0  }
0xa5: {  	[sflag:s23] =	ssyncadd.s32 $0xFFFFFFFF  }
0xa6: {  	s6 =	sld [smem:$0x0]  }
0xa7: {  	s7 =	sand.u32 $0xFFFFFFFE, s1  }
0xa8: {  	p0 =	sne.s32 s1, s7  }
0xa9: {  	s7 =	sshll.u32 @p0 s7, $0xE  }
0xaa: {  	s7 =	sadd.s32 @p0 $0x11B8D, s7;
	s8 =	sshll.u32 @p0 s6, $0x11  }
0xab: {  	s7 =	sor.u32 @p0 s8, s7  }
0xac: {  	[sflag:s7] =	ssyncadd.remote.s32 @p0 $0x1;
	_ =	sdelay $0x1  }
0xad: {  	s7 =	simm.s32 @p0 $0x1B8D  }
0xae: {  	_ =	swait.eq @p0 [sflag:s7], $0x1  }
0xaf: {  	[sflag:s7] =	ssyncadd.s32 @p0 $0xFFFFFFFF  }
0xb0: {  	s8 =	sshll.u32 @!p0 s1, $0xE  }
0xb1: {  	s8 =	sor.u32 @!p0 $0x4000, s8;
	s7 =	simm.s32 @!p0 $0x1B8D  }
0xb2: {  	s6 =	sshll.u32 @!p0 s6, $0x11;
	s8 =	sadd.s32 @!p0 $0x11B8D, s8;
	_ =	swait.eq @!p0 [sflag:s7], $0x1  }
0xb3: {  	s6 =	sor.u32 @!p0 s6, s8;
	[sflag:s7] =	ssyncadd.s32 @!p0 $0xFFFFFFFF  }
0xb4: {  	s25 =	simm.s32 $0x1B8E;
	s24 =	sld [smem:$0x3FFE];
	[sflag:s6] =	ssyncadd.remote.s32 @!p0 $0x1  }
0xb5: {  	s26 =	simm.s32 $execute0_lowered;
	[smem:$0x3FD2] =	sst s25  }
0xb6: {  	s7 =	sshll.u32 s26, $0x1;
	_ =	strace $0x80000049;
	[dreg:$0x1] =	wrdreg $0xFFFFFFFF  }
0xb7: {  	s28 =	simm.s32 $_size_execute0_lowered;
	s5 =	sadd.s32 s5, s7;
	[dreg:$0x0] =	wrdreg $0x0  }
0xb8: {  	s7 =	sshll.u32 s28, $0x1;
	[dreg:$0x2] =	wrdreg s5  }
0xb9: {  	[dreg:$0x3] =	wrdreg s7  }
0xba: {  	[dreg:$0x4] =	wrdreg $0xC0  }
0xbb: {  	_ =	task [dreg:s22], $0x5FFFF  }
0xbc: {  	[dreg:$0x1] =	wrdreg $0xFFFFFFFF  }
0xbd: {  	[dreg:$0x0] =	wrdreg $0x60  }
0xbe: {  	[dreg:$0x2] =	wrdreg s24  }
0xbf: {  	[dreg:$0x3] =	wrdreg s18  }
0xc0: {  	[dreg:$0x4] =	wrdreg s4  }
0xc1: {  	[dreg:$0x5] =	wrdreg $0xA  }
0xc2: {  	_ =	task.clear_ibuf [dreg:s22], $0x6FFFF;
	_ =	strace $0x90000049  }
0xc3: {  	s29 =	simm.s32 $0xA;
	_ =	strace $0x8000004B  }
0xc4: {  	_ =	swait.ge [sflag:s29], $0x1  }
0xc5: {  	[sflag:s29] =	ssyncadd.s32 $0xFFFFFFFF  }
0xc6: {  	_ =	strace $0x9000004B  }
0xc7: {  	_ =	sfence  }
0xc8: {  	s30 =	sld [smem:$0x0];
	_ =	sdelay $0x2  }
0xc9: {  	s31 =	sshll.u32 s1, $0xD;
	s1 =	sshrl.u32 s1, $0x2  }
0xca: {  	s4 =	sand.u32 $0x4000, s31;
	s1 =	sadd.s32 s1, s30  }
0xcb: {  	s0 =	sor.u32 s4, s0;
	s1 =	sshll.u32 s1, $0x11  }
0xcc: {  	s0 =	sor.u32 s1, s0  }
0xcd: {  	s0 =	sadd.s32 $0x8F2B, s0  }
0xce: {  	[sflag:s0] =	ssyncadd.remote.s32 $0x1  }
0xcf: {  	_ =	sfence.sel $0xFFFF  }
0xd0: {  	[dreg:$0x0] =	wrdreg $0xFFFFFFFF;
	(pc) =	sbr.abs _section_cstart, $3  }
0xd1: {  	[dreg:$0x1] =	wrdreg $0xFFFFFFFF  }
0xd2: {  	_ =	task.clear_ibuf [dreg:s22], $0x2FFFF;
	_ =	strace $0x9FFFFFFF  }
0xd3: {  	(tm) =	ssettm $0x7FFFFFFF  }
tec
execute0_lowered:
.L_overlay_start_1:
0x0: {  	(tag) =	ssettag $0x1  }
0x1: {  	s1 =	srdreg.scid;
	s0 =	stileid.u32  }
0x2: {  	s12 =	rddreg [dreg:$0x0];
	s14 =	sand.u32 $0x1, s1;
	s31 =	sshll.u32 s0, $0x1  }
0x3: {  	s2 =	rddreg [dreg:$0x1];
	s13 =	sor.u32 s14, s31  }
0x4: {  	s3 =	rddreg [dreg:$0x2];
	s4 =	simm.s32 $0x0;
	s5 =	sshll.u32 s13, $0x4  }
0x5: {  	s6 =	simm.s32 $0x5;
	[smem:$0x7FF] =	sst s4;
	s7 =	sadd.s32 s5, s12  }
0x6: {  	s1 =	rddreg [dreg:$0x3];
	_ =	strace $0x8000004A;
	s5 =	sadd.s32 $0x14200, s7  }
0x7: {  	[tilespmem:s4], [sflag:$0x5] =	stream.linear.gather [hbm4b:s5+s4], $0x80, $0x38;
	[tilespmem:$0x8100] =	vst v63  }
0x8: {  	_ =	swait.ge [sflag:s6], $0x80  }
0x9: {  	[sflag:s6] =	ssyncset.done $0x0  }
0xa: {  	s8 =	simm.s32 $0x80;
	s7 =	sadd.s32 $0x14000, s7;
	[sflag:s6] =	ssyncadd.s32 $0xFFFFFF80  }
0xb: {  	[tilespmem:s8], [sflag:$0x5] =	stream.linear.gather [hbm4b:s7+s4], $0x80, $0x38;
	[tilespmem:$0x8100] =	vst v63  }
0xc: {  	_ =	swait.ge [sflag:s6], $0x80  }
0xd: {  	[sflag:s6] =	ssyncset.done $0x0  }
0xe: {  	s9 =	simm.s32 $0x100;
	[sflag:s6] =	ssyncadd.s32 $0xFFFFFF80  }
0xf: {  	[tilespmem:s9], [sflag:$0x1] =	stream.indirect.gather [hbm4b:s2+s8], $0x80, s4, s8, $0xb8;
	[tilespmem:$0x8100] =	vst v63  }
0x10: {  	s10 =	simm.s32 $0x4100;
	s11 =	simm.s32 $0x1  }
0x11: {  	[tilespmem:s10], [sflag:$0x2] =	stream.indirect.gather [hbm4b:s3+s8], $0x80, s8, s8, $0xb8;
	[tilespmem:$0x8100] =	vst v63  }
0x12: {  	s16 =	ssub.s32 $0x2, s14;
	s13 =	sshll.u32 s13, $0xB;
	_ =	swait.ge [sflag:s11], $0x4000  }
0x13: {  	s17 =	sshrl.u32 s16, $0x1;
	s15 =	sadd.s32 s13, s12;
	[sflag:s11] =	ssyncset.done $0x0  }
0x14: {  	s13 =	simm.s32 $0x2;
	s12 =	sadd.s32 $0x14C00, s15;
	[sflag:s11] =	ssyncadd.s32 $0xFFFFC000  }
0x15: {  	[hbm4b:s12+s4] =	stream.linear.scatter [tilespmem:s9], [sflag:$0x3], $0x4000, $0x38;
	[tilespmem:$0x8100] =	vst v63  }
0x16: {  	s16 =	ssub.s32 s16, s17;
	_ =	swait.ge [sflag:s13], $0x4000  }
0x17: {  	s14 =	sadd.s32 $0x24C00, s15;
	s17 =	smax.u32 s16, $0x1;
	[sflag:s13] =	ssyncset.done $0x0  }
0x18: {  	s15 =	simm.s32 $0x3;
	p0 =	sne.s32 s17, $0x1;
	[sflag:s13] =	ssyncadd.s32 $0xFFFFC000  }
0x19: {  	[hbm4b:s14+s4] =	stream.linear.scatter [tilespmem:s10], [sflag:$0x4], $0x4000, $0x38;
	[tilespmem:$0x8100] =	vst v63  }
.Ltmp0:
0x1a: {  	_ =	swait.ge [sflag:s15], $0x4000;
	(pc) =	sbr.rel @!p0 .LBB2_2-.Ltmp0, $4  }
0x1b: {  	[sflag:s15] =	ssyncset.done $0x0  }
0x1c: {  	s16 =	simm.s32 $0x4;
	[sflag:s15] =	ssyncadd.s32 $0xFFFFC000  }
0x1d: {  	_ =	swait.ge [sflag:s16], $0x4000  }
0x1e: {  	s17 =	sadd.s32 $0xFFFFFFFF, s17;
	[sflag:s16] =	ssyncset.done $0x0  }
.LBB2_1:
0x1f: {  	p0 =	sne.s32 s17, $0x1;
	s17 =	sadd.s32 $0xFFFFFFFF, s17;
	[sflag:s16] =	ssyncadd.s32 $0xFFFFC000  }
0x20: {  	[tilespmem:s4], [sflag:$0x5] =	stream.linear.gather [hbm4b:s5+s4], $0x80, $0x38;
	[tilespmem:$0x8100] =	vst v63  }
0x21: {  	_ =	swait.ge [sflag:s6], $0x80  }
0x22: {  	[sflag:s6] =	ssyncset.done $0x0  }
0x23: {  	[sflag:s6] =	ssyncadd.s32 $0xFFFFFF80  }
0x24: {  	[tilespmem:s8], [sflag:$0x5] =	stream.linear.gather [hbm4b:s7+s4], $0x80, $0x38;
	[tilespmem:$0x8100] =	vst v63  }
0x25: {  	_ =	swait.ge [sflag:s6], $0x80  }
0x26: {  	[sflag:s6] =	ssyncset.done $0x0  }
0x27: {  	[sflag:s6] =	ssyncadd.s32 $0xFFFFFF80  }
0x28: {  	[tilespmem:s9], [sflag:$0x1] =	stream.indirect.gather [hbm4b:s2+s8], $0x80, s4, s8, $0xb8;
	[tilespmem:$0x8100] =	vst v63  }
0x29: {  	_ = 	snop  }
0x2a: {  	[tilespmem:s10], [sflag:$0x2] =	stream.indirect.gather [hbm4b:s3+s8], $0x80, s8, s8, $0xb8;
	[tilespmem:$0x8100] =	vst v63  }
0x2b: {  	_ =	swait.ge [sflag:s11], $0x4000  }
0x2c: {  	[sflag:s11] =	ssyncset.done $0x0  }
0x2d: {  	[sflag:s11] =	ssyncadd.s32 $0xFFFFC000  }
0x2e: {  	[hbm4b:s12+s4] =	stream.linear.scatter [tilespmem:s9], [sflag:$0x3], $0x4000, $0x38;
	[tilespmem:$0x8100] =	vst v63  }
0x2f: {  	_ =	swait.ge [sflag:s13], $0x4000  }
0x30: {  	[sflag:s13] =	ssyncset.done $0x0  }
0x31: {  	[sflag:s13] =	ssyncadd.s32 $0xFFFFC000  }
0x32: {  	[hbm4b:s14+s4] =	stream.linear.scatter [tilespmem:s10], [sflag:$0x4], $0x4000, $0x38;
	[tilespmem:$0x8100] =	vst v63  }
.Ltmp1:
0x33: {  	_ =	swait.ge [sflag:s15], $0x4000;
	(pc) =	sbr.rel @p0 .LBB2_1-.Ltmp1, $4  }
0x34: {  	[sflag:s15] =	ssyncset.done $0x0  }
0x35: {  	[sflag:s15] =	ssyncadd.s32 $0xFFFFC000  }
0x36: {  	_ =	swait.ge [sflag:s16], $0x4000  }
0x37: {  	[sflag:s16] =	ssyncset.done $0x0  }
.LBB2_2:
0x38: {  	[sflag:s16] =	ssyncadd.s32 $0xFFFFC000  }
0x39: {  	_ =	sfence.sel $0x180000  }
0x3a: {  	[bflag:$0x0] =	sbarrier.arrive $0xFFFF  }
0x3b: {  	p0 =	sne.s32 s0, $0x0;
	_ =	strace $0x9000004A  }
0x3c: {  	s0 =	sadd.s32 @!p0 $0x100000, s1;
	[bflag:$0x2] =	sbarrier.arrive $0xFFFF  }
0x3d: {  	[sflag:s0] =	ssyncadd.tile.s32 @!p0 $0x1;
	_ =	shalt  }
.Lfunc_end2:
_tile_overlayer_lowered:
.L_overlay_start_2:
0x3e: {  	(tag) =	ssettag $0x2  }
0x3f: {  	s0 =	rddreg [dreg:$0x0];
	s2 =	stileid.u32  }
0x40: {  	s1 =	rddreg [dreg:$0x1];
	p0 =	sne.s32 s2, $0x0  }
0x41: {  	s3 =	rddreg [dreg:$0x2];
	[bflag:$0x3] =	sbarrier.arrive $0xFFFF;
	s2 =	simm.s32 @!p0 $0x1C05  }
0x42: {  	[timem:s3], [sflag:s2] =	dma.local @!p0 [hbm:s0], s1  }
0x43: {  	s0 =	simm.s32 @!p0 $0x5  }
0x44: {  	_ =	swait.ge @!p0 [sflag:s0], s1  }
0x45: {  	s1 =	ssub.s32 @!p0 $0x0, s1;
	[sflag:s0] =	ssyncset.done @!p0 $0x0  }
0x46: {  	[sflag:s0] =	ssyncadd.s32 @!p0 s1  }
0x47: {  	[bflag:$0x3] =	sbarrier.arrive $0xFFFF  }
0x48: {  	_ =	shalt  }

// kernel: kernel.16.cloned.1.call-start
scs
__scs_entry_jumppad:
0x0: {  	(pc) =	sbr.rel $0x88, $3  }
0x1: {  	(tag) =	ssettag $0x0;
	lr =	simm.s32 $0x1  }
0x2: {  	[smem:$0x3F9B] =	sst lr;
	_ =	strace $0xD0000000  }
0x3: {  	_ = 	snop  }
0x4: {  	_ = 	snop  }
0x5: {  	_ = 	snop  }
0x6: {  	_ = 	snop  }
0x7: {  	_ = 	snop  }
__scs_overlays_trampoline_lowered:
0x8: {  	[smem:$0x3FAA] =	sst s0  }
0x9: {  	[smem:$0x3FAB] =	sst s1  }
0xa: {  	[smem:$0x3FAC] =	sst s2  }
0xb: {  	[smem:$0x3FAD] =	sst s3  }
0xc: {  	[smem:$0x3FAE] =	sst s4  }
0xd: {  	[smem:$0x3FAF] =	sst s5  }
0xe: {  	[smem:$0x3FB0] =	sst s6  }
0xf: {  	[smem:$0x3FB1] =	sst s7  }
0x10: {  	[smem:$0x3FB2] =	sst s8  }
0x11: {  	[smem:$0x3FB3] =	sst s9;
	s0 =	simm.s32 @!p0 $0x0  }
0x12: {  	s1 =	sld [smem:$0x3F99];
	s0 =	simm.s32 @p0 $0x1  }
0x13: {  	[smem:$0x3FB4] =	sst s0;
	s0 =	simm.s32 @!p1 $0x0  }
0x14: {  	s2 =	sld [smem:$0x3F98];
	s0 =	simm.s32 @p1 $0x1  }
0x15: {  	[smem:$0x3FB5] =	sst s0;
	s0 =	simm.s32 @!p2 $0x0  }
0x16: {  	s3 =	sld [smem:$0x3FDB];
	s0 =	simm.s32 @p2 $0x1  }
0x17: {  	s4 =	simm.s32 $0x1BF5;
	[smem:$0x3FB7] =	sst s0  }
0x18: {  	s0 =	sld [smem:$0x3F9A];
	_ =	swait.ge [sflag:s4], $0x0  }
0x19: {  	s7 =	sld [smem:$0x3F9B]  }
0x1a: {  	s8 =	sadd.s32 $0xFFFFE003, lr  }
0x1b: {  	s9 =	sadd.s32 $0xFFFFFEF7, lr;
	s5 =	simm.s32 $0xFFFFFFFF;
	p2 =	slt.u32 s8, $0xFFFFF086  }
0x1c: {  	p1 =	slt.u32 s9, $0xF7A;
	s5 =	simm.s32 @!p2 $0x0  }
0x1d: {  	s5 =	simm.s32 @p1 $0x1;
	p0 =	seq.s32 s7, s2  }
0x1e: {  	s7 =	smul.u32 @!p0 $0xF7A, s2;
	p2 =	seq.s32 @!p0 s5, $0x0  }
0x1f: {  	s9 =	smul.u32 $0xF7A, s1;
	s8 =	simm.s32 @!p0 $0x1BF5;
	p2 =	por !p2, p0  }
0x20: {  	[sflag:s8] =	ssyncset.s32 @!p0 $0xFFFFF086;
	s6 =	sadd.s32 @!p0 s3, s7;
	s7 =	simm.s32 @!p0 $0x108  }
0x21: {  	s3 =	sadd.s32 s3, s9;
	s6 =	sadd.s32 @!p0 $0x88, s6;
	s7 =	simm.s32 @p2 $0x1082  }
0x22: {  	[simem:s7], [sflag:s8] =	dma.local @!p0 [hbm:s6], $0xF7A  }
0x23: {  	s9 =	sor.u32 $0xD0000000, s2;
	s6 =	simm.s32 $0x108;
	_ =	swait.ge @!p0 [sflag:s8], $0x0  }
0x24: {  	s3 =	sadd.s32 $0x88, s3;
	s6 =	simm.s32 @!p1 $0x1082;
	[sflag:s4] =	ssyncset.s32 $0xFFFFF086  }
0x25: {  	[simem:s6], [sflag:s4] =	dma.local [hbm:s3], $0xF7A  }
0x26: {  	[smem:$0x3F9B] =	sst s1;
	(tag) =	ssettag s2;
	_ =	strace s9  }
0x27: {  	s1 =	sld [smem:$0x3FAB]  }
0x28: {  	s2 =	sld [smem:$0x3FAC]  }
0x29: {  	s4 =	sld [smem:$0x3FAE]  }
0x2a: {  	p0 =	seq.s32 s5, $0x0;
	s5 =	sld [smem:$0x3FAF]  }
0x2b: {  	s6 =	sld [smem:$0x3FB0]  }
0x2c: {  	s7 =	sld [smem:$0x3FB1]  }
0x2d: {  	s3 =	simm.s32 $0x108;
	s8 =	sld [smem:$0x3FB2]  }
0x2e: {  	s3 =	simm.s32 @!p0 $0x1082;
	s9 =	sld [smem:$0x3FB3]  }
0x2f: {  	lr =	sadd.s32 s0, s3;
	s0 =	sld [smem:$0x3FAA]  }
0x30: {  	s3 =	sld [smem:$0x3FAD]  }
0x31: {  	[smem:$0x3FB6] =	sst s10  }
0x32: {  	s10 =	sld [smem:$0x3FB4];
	_ =	sdelay $0x3  }
0x33: {  	p0 =	seq.s32 s10, $0x1;
	s10 =	sld [smem:$0x3FB6];
	_ =	sdelay $0x3  }
0x34: {  	[smem:$0x3FB6] =	sst s10  }
0x35: {  	s10 =	sld [smem:$0x3FB5];
	_ =	sdelay $0x3  }
0x36: {  	p1 =	seq.s32 s10, $0x1;
	s10 =	sld [smem:$0x3FB6];
	_ =	sdelay $0x3  }
0x37: {  	[smem:$0x3FB6] =	sst s10  }
0x38: {  	s10 =	sld [smem:$0x3FB7]  }
0x39: {  	_ = 	snop;
	(pc) =	sbr.ind lr, $3  }
0x3a: {  	_ = 	snop  }
0x3b: {  	_ = 	snop  }
0x3c: {  	p2 =	seq.s32 s10, $0x1;
	s10 =	sld [smem:$0x3FB6]  }
0x3d: {  	_ =	shalt  }
0x3e: {  	_ =	shalt  }
0x3f: {  	_ =	shalt  }
0x40: {  	_ =	shalt  }
0x41: {  	_ =	shalt  }
0x42: {  	_ =	shalt  }
0x43: {  	_ =	shalt  }
0x44: {  	_ =	shalt  }
0x45: {  	_ =	shalt  }
0x46: {  	_ =	shalt  }
0x47: {  	_ =	shalt  }
0x48: {  	_ =	shalt  }
0x49: {  	_ =	shalt  }
0x4a: {  	_ =	shalt  }
0x4b: {  	_ =	shalt  }
0x4c: {  	_ =	shalt  }
0x4d: {  	_ =	shalt  }
0x4e: {  	_ =	shalt  }
0x4f: {  	_ =	shalt  }
0x50: {  	_ =	shalt  }
0x51: {  	_ =	shalt  }
0x52: {  	_ =	shalt  }
0x53: {  	_ =	shalt  }
0x54: {  	_ =	shalt  }
0x55: {  	_ =	shalt  }
0x56: {  	_ =	shalt  }
0x57: {  	_ =	shalt  }
0x58: {  	_ =	shalt  }
0x59: {  	_ =	shalt  }
0x5a: {  	_ =	shalt  }
0x5b: {  	_ =	shalt  }
0x5c: {  	_ =	shalt  }
0x5d: {  	_ =	shalt  }
0x5e: {  	_ =	shalt  }
0x5f: {  	_ =	shalt  }
0x60: {  	_ =	shalt  }
0x61: {  	_ =	shalt  }
0x62: {  	_ =	shalt  }
0x63: {  	_ =	shalt  }
0x64: {  	_ =	shalt  }
0x65: {  	_ =	shalt  }
0x66: {  	_ =	shalt  }
0x67: {  	_ =	shalt  }
0x68: {  	_ =	shalt  }
0x69: {  	_ =	shalt  }
0x6a: {  	_ =	shalt  }
0x6b: {  	_ =	shalt  }
0x6c: {  	_ =	shalt  }
0x6d: {  	_ =	shalt  }
0x6e: {  	_ =	shalt  }
0x6f: {  	_ =	shalt  }
0x70: {  	_ =	shalt  }
0x71: {  	_ =	shalt  }
0x72: {  	_ =	shalt  }
0x73: {  	_ =	shalt  }
0x74: {  	_ =	shalt  }
0x75: {  	_ =	shalt  }
0x76: {  	_ =	shalt  }
0x77: {  	_ =	shalt  }
0x78: {  	_ =	shalt  }
0x79: {  	_ =	shalt  }
0x7a: {  	_ =	shalt  }
0x7b: {  	_ =	shalt  }
0x7c: {  	_ =	shalt  }
0x7d: {  	_ =	shalt  }
0x7e: {  	_ =	shalt  }
0x7f: {  	_ =	shalt  }
0x80: {  	_ =	shalt  }
0x81: {  	_ =	shalt  }
0x82: {  	_ =	shalt  }
0x83: {  	_ =	shalt  }
0x84: {  	_ =	shalt  }
0x85: {  	_ =	shalt  }
0x86: {  	_ =	shalt  }
0x87: {  	_ =	shalt  }
.Lfunc_end0:
.L_simem_size_0:
called_computation.2_lowered:
.L_overlay_start_0:
0x88: {  	s2 =	sld [smem:$0x3FD9]  }
0x89: {  	s3 =	sld [smem:$0x3FFE];
	_ =	sdelay $0x1  }
0x8a: {  	s1 =	srdreg.scid  }
0x8b: {  	s0 =	sand.u32 $0x1, s1  }
0x8c: {  	s17 =	sshll.u32 s0, $0xA;
	s2 =	sadd.s32 s3, s2  }
0x8d: {  	s2 =	sadd.s32 s2, s17  }
0x8e: {  	[smem:$0x3FC2] =	sst s2  }
0x8f: {  	_ = 	snop  }
0x90: {  	s18 =	sld [smem:$0x3FC7]  }
0x91: {  	s4 =	sld [smem:$0x3FC6];
	(tm) =	ssettm $0x1  }
0x92: {  	s19 =	sld [smem:$0x3FFB];
	_ =	sdelay $0x3  }
0x93: {  	_ =	strace s19  }
0x94: {  	s2 =	sld [smem:$0x3FFC];
	_ =	sdelay $0x3  }
0x95: {  	_ =	strace s2  }
0x96: {  	s2 =	sld [smem:$0x3FFD];
	_ =	sdelay $0x3  }
0x97: {  	_ =	strace s2  }
0x98: {  	_ =	strace $0x8FFFFFFF  }
0x99: {  	s20 =	sld [smem:$0x3FDB];
	_ =	sdelay $0x1  }
0x9a: {  	s5 =	simm.s32 $_scs_section_size  }
0x9b: {  	s6 =	simm.s32 $_size__tile_overlayer_lowered;
	s7 =	simm.s32 $_tile_overlayer_lowered  }
0x9c: {  	s8 =	simm.s32 $0x1BFF;
	s21 =	sshll.u32 s7, $0x1;
	s5 =	sadd.s32 s5, s20  }
0x9d: {  	s22 =	simm.s32 $0x0;
	s6 =	sshll.u32 s6, $0x1;
	s7 =	sadd.s32 s21, s5  }
0x9e: {  	[timem:s22], [sflag:s8] =	dma.local [hbm:s7], s6  }
0x9f: {  	_ =	swait.ge [sflag:s8], s6  }
0xa0: {  	s6 =	ssub.s32 $0x0, s6;
	[sflag:s8] =	ssyncset.done $0x0  }
0xa1: {  	[sflag:s8] =	ssyncadd.s32 s6;
	_ =	sdelay $0x1  }
0xa2: {  	s23 =	simm.s32 $0x1B8B  }
0xa3: {  	_ =	swait.ge [sflag:s23], $0x1  }
0xa4: {  	[sflag:s23] =	ssyncset.done $0x0  }
0xa5: {  	[sflag:s23] =	ssyncadd.s32 $0xFFFFFFFF  }
0xa6: {  	s6 =	sld [smem:$0x0]  }
0xa7: {  	s7 =	sand.u32 $0xFFFFFFFE, s1  }
0xa8: {  	p0 =	sne.s32 s1, s7  }
0xa9: {  	s7 =	sshll.u32 @p0 s7, $0xE  }
0xaa: {  	s7 =	sadd.s32 @p0 $0x11B8D, s7;
	s8 =	sshll.u32 @p0 s6, $0x11  }
0xab: {  	s7 =	sor.u32 @p0 s8, s7  }
0xac: {  	[sflag:s7] =	ssyncadd.remote.s32 @p0 $0x1;
	_ =	sdelay $0x1  }
0xad: {  	s7 =	simm.s32 @p0 $0x1B8D  }
0xae: {  	_ =	swait.eq @p0 [sflag:s7], $0x1  }
0xaf: {  	[sflag:s7] =	ssyncadd.s32 @p0 $0xFFFFFFFF  }
0xb0: {  	s8 =	sshll.u32 @!p0 s1, $0xE  }
0xb1: {  	s8 =	sor.u32 @!p0 $0x4000, s8;
	s7 =	simm.s32 @!p0 $0x1B8D  }
0xb2: {  	s6 =	sshll.u32 @!p0 s6, $0x11;
	s8 =	sadd.s32 @!p0 $0x11B8D, s8;
	_ =	swait.eq @!p0 [sflag:s7], $0x1  }
0xb3: {  	s6 =	sor.u32 @!p0 s6, s8;
	[sflag:s7] =	ssyncadd.s32 @!p0 $0xFFFFFFFF  }
0xb4: {  	s25 =	simm.s32 $0x1B8E;
	s24 =	sld [smem:$0x3FFE];
	[sflag:s6] =	ssyncadd.remote.s32 @!p0 $0x1  }
0xb5: {  	s26 =	simm.s32 $execute0_lowered;
	[smem:$0x3FD2] =	sst s25  }
0xb6: {  	s7 =	sshll.u32 s26, $0x1;
	_ =	strace $0x8000004C;
	[dreg:$0x1] =	wrdreg $0xFFFFFFFF  }
0xb7: {  	s28 =	simm.s32 $_size_execute0_lowered;
	s5 =	sadd.s32 s5, s7;
	[dreg:$0x0] =	wrdreg $0x0  }
0xb8: {  	s7 =	sshll.u32 s28, $0x1;
	[dreg:$0x2] =	wrdreg s5  }
0xb9: {  	[dreg:$0x3] =	wrdreg s7  }
0xba: {  	[dreg:$0x4] =	wrdreg $0xC0  }
0xbb: {  	_ =	task [dreg:s22], $0x5FFFF  }
0xbc: {  	[dreg:$0x1] =	wrdreg $0xFFFFFFFF  }
0xbd: {  	[dreg:$0x0] =	wrdreg $0x60  }
0xbe: {  	[dreg:$0x2] =	wrdreg s24  }
0xbf: {  	[dreg:$0x3] =	wrdreg s18  }
0xc0: {  	[dreg:$0x4] =	wrdreg s4  }
0xc1: {  	[dreg:$0x5] =	wrdreg $0xB  }
0xc2: {  	_ =	task.clear_ibuf [dreg:s22], $0x6FFFF;
	_ =	strace $0x9000004C  }
0xc3: {  	s29 =	simm.s32 $0xB;
	_ =	strace $0x8000004E  }
0xc4: {  	_ =	swait.ge [sflag:s29], $0x1  }
0xc5: {  	[sflag:s29] =	ssyncadd.s32 $0xFFFFFFFF  }
0xc6: {  	_ =	strace $0x9000004E  }
0xc7: {  	_ =	sfence  }
0xc8: {  	s30 =	sld [smem:$0x0];
	_ =	sdelay $0x2  }
0xc9: {  	s31 =	sshll.u32 s1, $0xD;
	s1 =	sshrl.u32 s1, $0x2  }
0xca: {  	s4 =	sand.u32 $0x4000, s31;
	s1 =	sadd.s32 s1, s30  }
0xcb: {  	s0 =	sor.u32 s4, s0;
	s1 =	sshll.u32 s1, $0x11  }
0xcc: {  	s0 =	sor.u32 s1, s0  }
0xcd: {  	s0 =	sadd.s32 $0x8F2B, s0  }
0xce: {  	[sflag:s0] =	ssyncadd.remote.s32 $0x1  }
0xcf: {  	_ =	sfence.sel $0xFFFF  }
0xd0: {  	[dreg:$0x0] =	wrdreg $0xFFFFFFFF;
	(pc) =	sbr.abs _section_cstart, $3  }
0xd1: {  	[dreg:$0x1] =	wrdreg $0xFFFFFFFF  }
0xd2: {  	_ =	task.clear_ibuf [dreg:s22], $0x2FFFF;
	_ =	strace $0x9FFFFFFF  }
0xd3: {  	(tm) =	ssettm $0x7FFFFFFF  }
tec
execute0_lowered:
.L_overlay_start_1:
0x0: {  	(tag) =	ssettag $0x1  }
0x1: {  	s1 =	srdreg.scid;
	s0 =	stileid.u32  }
0x2: {  	s12 =	rddreg [dreg:$0x0];
	s14 =	sand.u32 $0x1, s1;
	s31 =	sshll.u32 s0, $0x1  }
0x3: {  	s2 =	rddreg [dreg:$0x1];
	s13 =	sor.u32 s14, s31  }
0x4: {  	s3 =	rddreg [dreg:$0x2];
	s4 =	simm.s32 $0x0;
	s5 =	sshll.u32 s13, $0x4  }
0x5: {  	s6 =	simm.s32 $0x5;
	[smem:$0x7FF] =	sst s4;
	s7 =	sadd.s32 s5, s12  }
0x6: {  	s1 =	rddreg [dreg:$0x3];
	_ =	strace $0x8000004D;
	s5 =	sadd.s32 $0x14600, s7  }
0x7: {  	[tilespmem:s4], [sflag:$0x5] =	stream.linear.gather [hbm4b:s5+s4], $0x80, $0x38;
	[tilespmem:$0x8100] =	vst v63  }
0x8: {  	_ =	swait.ge [sflag:s6], $0x80  }
0x9: {  	[sflag:s6] =	ssyncset.done $0x0  }
0xa: {  	s8 =	simm.s32 $0x80;
	s7 =	sadd.s32 $0x14400, s7;
	[sflag:s6] =	ssyncadd.s32 $0xFFFFFF80  }
0xb: {  	[tilespmem:s8], [sflag:$0x5] =	stream.linear.gather [hbm4b:s7+s4], $0x80, $0x38;
	[tilespmem:$0x8100] =	vst v63  }
0xc: {  	_ =	swait.ge [sflag:s6], $0x80  }
0xd: {  	[sflag:s6] =	ssyncset.done $0x0  }
0xe: {  	s9 =	simm.s32 $0x100;
	[sflag:s6] =	ssyncadd.s32 $0xFFFFFF80  }
0xf: {  	[tilespmem:s9], [sflag:$0x1] =	stream.indirect.gather [hbm4b:s2+s8], $0x80, s4, s8, $0xb8;
	[tilespmem:$0x8100] =	vst v63  }
0x10: {  	s10 =	simm.s32 $0x4100;
	s11 =	simm.s32 $0x1  }
0x11: {  	[tilespmem:s10], [sflag:$0x2] =	stream.indirect.gather [hbm4b:s3+s8], $0x80, s8, s8, $0xb8;
	[tilespmem:$0x8100] =	vst v63  }
0x12: {  	s16 =	ssub.s32 $0x2, s14;
	s13 =	sshll.u32 s13, $0xB;
	_ =	swait.ge [sflag:s11], $0x4000  }
0x13: {  	s17 =	sshrl.u32 s16, $0x1;
	s15 =	sadd.s32 s13, s12;
	[sflag:s11] =	ssyncset.done $0x0  }
0x14: {  	s13 =	simm.s32 $0x2;
	s12 =	sadd.s32 $0x34C00, s15;
	[sflag:s11] =	ssyncadd.s32 $0xFFFFC000  }
0x15: {  	[hbm4b:s12+s4] =	stream.linear.scatter [tilespmem:s9], [sflag:$0x3], $0x4000, $0x38;
	[tilespmem:$0x8100] =	vst v63  }
0x16: {  	s16 =	ssub.s32 s16, s17;
	_ =	swait.ge [sflag:s13], $0x4000  }
0x17: {  	s14 =	sadd.s32 $0x44C00, s15;
	s17 =	smax.u32 s16, $0x1;
	[sflag:s13] =	ssyncset.done $0x0  }
0x18: {  	s15 =	simm.s32 $0x3;
	p0 =	sne.s32 s17, $0x1;
	[sflag:s13] =	ssyncadd.s32 $0xFFFFC000  }
0x19: {  	[hbm4b:s14+s4] =	stream.linear.scatter [tilespmem:s10], [sflag:$0x4], $0x4000, $0x38;
	[tilespmem:$0x8100] =	vst v63  }
.Ltmp0:
0x1a: {  	_ =	swait.ge [sflag:s15], $0x4000;
	(pc) =	sbr.rel @!p0 .LBB2_2-.Ltmp0, $4  }
0x1b: {  	[sflag:s15] =	ssyncset.done $0x0  }
0x1c: {  	s16 =	simm.s32 $0x4;
	[sflag:s15] =	ssyncadd.s32 $0xFFFFC000  }
0x1d: {  	_ =	swait.ge [sflag:s16], $0x4000  }
0x1e: {  	s17 =	sadd.s32 $0xFFFFFFFF, s17;
	[sflag:s16] =	ssyncset.done $0x0  }
.LBB2_1:
0x1f: {  	p0 =	sne.s32 s17, $0x1;
	s17 =	sadd.s32 $0xFFFFFFFF, s17;
	[sflag:s16] =	ssyncadd.s32 $0xFFFFC000  }
0x20: {  	[tilespmem:s4], [sflag:$0x5] =	stream.linear.gather [hbm4b:s5+s4], $0x80, $0x38;
	[tilespmem:$0x8100] =	vst v63  }
0x21: {  	_ =	swait.ge [sflag:s6], $0x80  }
0x22: {  	[sflag:s6] =	ssyncset.done $0x0  }
0x23: {  	[sflag:s6] =	ssyncadd.s32 $0xFFFFFF80  }
0x24: {  	[tilespmem:s8], [sflag:$0x5] =	stream.linear.gather [hbm4b:s7+s4], $0x80, $0x38;
	[tilespmem:$0x8100] =	vst v63  }
0x25: {  	_ =	swait.ge [sflag:s6], $0x80  }
0x26: {  	[sflag:s6] =	ssyncset.done $0x0  }
0x27: {  	[sflag:s6] =	ssyncadd.s32 $0xFFFFFF80  }
0x28: {  	[tilespmem:s9], [sflag:$0x1] =	stream.indirect.gather [hbm4b:s2+s8], $0x80, s4, s8, $0xb8;
	[tilespmem:$0x8100] =	vst v63  }
0x29: {  	_ = 	snop  }
0x2a: {  	[tilespmem:s10], [sflag:$0x2] =	stream.indirect.gather [hbm4b:s3+s8], $0x80, s8, s8, $0xb8;
	[tilespmem:$0x8100] =	vst v63  }
0x2b: {  	_ =	swait.ge [sflag:s11], $0x4000  }
0x2c: {  	[sflag:s11] =	ssyncset.done $0x0  }
0x2d: {  	[sflag:s11] =	ssyncadd.s32 $0xFFFFC000  }
0x2e: {  	[hbm4b:s12+s4] =	stream.linear.scatter [tilespmem:s9], [sflag:$0x3], $0x4000, $0x38;
	[tilespmem:$0x8100] =	vst v63  }
0x2f: {  	_ =	swait.ge [sflag:s13], $0x4000  }
0x30: {  	[sflag:s13] =	ssyncset.done $0x0  }
0x31: {  	[sflag:s13] =	ssyncadd.s32 $0xFFFFC000  }
0x32: {  	[hbm4b:s14+s4] =	stream.linear.scatter [tilespmem:s10], [sflag:$0x4], $0x4000, $0x38;
	[tilespmem:$0x8100] =	vst v63  }
.Ltmp1:
0x33: {  	_ =	swait.ge [sflag:s15], $0x4000;
	(pc) =	sbr.rel @p0 .LBB2_1-.Ltmp1, $4  }
0x34: {  	[sflag:s15] =	ssyncset.done $0x0  }
0x35: {  	[sflag:s15] =	ssyncadd.s32 $0xFFFFC000  }
0x36: {  	_ =	swait.ge [sflag:s16], $0x4000  }
0x37: {  	[sflag:s16] =	ssyncset.done $0x0  }
.LBB2_2:
0x38: {  	[sflag:s16] =	ssyncadd.s32 $0xFFFFC000  }
0x39: {  	_ =	sfence.sel $0x180000  }
0x3a: {  	[bflag:$0x0] =	sbarrier.arrive $0xFFFF  }
0x3b: {  	p0 =	sne.s32 s0, $0x0;
	_ =	strace $0x9000004D  }
0x3c: {  	s0 =	sadd.s32 @!p0 $0x100000, s1;
	[bflag:$0x2] =	sbarrier.arrive $0xFFFF  }
0x3d: {  	[sflag:s0] =	ssyncadd.tile.s32 @!p0 $0x1;
	_ =	shalt  }
.Lfunc_end2:
_tile_overlayer_lowered:
.L_overlay_start_2:
0x3e: {  	(tag) =	ssettag $0x2  }
0x3f: {  	s0 =	rddreg [dreg:$0x0];
	s2 =	stileid.u32  }
0x40: {  	s1 =	rddreg [dreg:$0x1];
	p0 =	sne.s32 s2, $0x0  }
0x41: {  	s3 =	rddreg [dreg:$0x2];
	[bflag:$0x3] =	sbarrier.arrive $0xFFFF;
	s2 =	simm.s32 @!p0 $0x1C05  }
0x42: {  	[timem:s3], [sflag:s2] =	dma.local @!p0 [hbm:s0], s1  }
0x43: {  	s0 =	simm.s32 @!p0 $0x5  }
0x44: {  	_ =	swait.ge @!p0 [sflag:s0], s1  }
0x45: {  	s1 =	ssub.s32 @!p0 $0x0, s1;
	[sflag:s0] =	ssyncset.done @!p0 $0x0  }
0x46: {  	[sflag:s0] =	ssyncadd.s32 @!p0 s1  }
0x47: {  	[bflag:$0x3] =	sbarrier.arrive $0xFFFF  }
0x48: {  	_ =	shalt  }

// kernel: kernel.19.cloned.1.call-start
scs
__scs_entry_jumppad:
0x0: {  	(pc) =	sbr.rel $0x88, $3  }
0x1: {  	(tag) =	ssettag $0x0;
	lr =	simm.s32 $0x1  }
0x2: {  	[smem:$0x3F9B] =	sst lr;
	_ =	strace $0xD0000000  }
0x3: {  	_ = 	snop  }
0x4: {  	_ = 	snop  }
0x5: {  	_ = 	snop  }
0x6: {  	_ = 	snop  }
0x7: {  	_ = 	snop  }
__scs_overlays_trampoline_lowered:
0x8: {  	[smem:$0x3FAA] =	sst s0  }
0x9: {  	[smem:$0x3FAB] =	sst s1  }
0xa: {  	[smem:$0x3FAC] =	sst s2  }
0xb: {  	[smem:$0x3FAD] =	sst s3  }
0xc: {  	[smem:$0x3FAE] =	sst s4  }
0xd: {  	[smem:$0x3FAF] =	sst s5  }
0xe: {  	[smem:$0x3FB0] =	sst s6  }
0xf: {  	[smem:$0x3FB1] =	sst s7  }
0x10: {  	[smem:$0x3FB2] =	sst s8  }
0x11: {  	[smem:$0x3FB3] =	sst s9;
	s0 =	simm.s32 @!p0 $0x0  }
0x12: {  	s1 =	sld [smem:$0x3F99];
	s0 =	simm.s32 @p0 $0x1  }
0x13: {  	[smem:$0x3FB4] =	sst s0;
	s0 =	simm.s32 @!p1 $0x0  }
0x14: {  	s2 =	sld [smem:$0x3F98];
	s0 =	simm.s32 @p1 $0x1  }
0x15: {  	[smem:$0x3FB5] =	sst s0;
	s0 =	simm.s32 @!p2 $0x0  }
0x16: {  	s3 =	sld [smem:$0x3FDB];
	s0 =	simm.s32 @p2 $0x1  }
0x17: {  	s4 =	simm.s32 $0x1BF5;
	[smem:$0x3FB7] =	sst s0  }
0x18: {  	s0 =	sld [smem:$0x3F9A];
	_ =	swait.ge [sflag:s4], $0x0  }
0x19: {  	s7 =	sld [smem:$0x3F9B]  }
0x1a: {  	s8 =	sadd.s32 $0xFFFFE003, lr  }
0x1b: {  	s9 =	sadd.s32 $0xFFFFFEF7, lr;
	s5 =	simm.s32 $0xFFFFFFFF;
	p2 =	slt.u32 s8, $0xFFFFF086  }
0x1c: {  	p1 =	slt.u32 s9, $0xF7A;
	s5 =	simm.s32 @!p2 $0x0  }
0x1d: {  	s5 =	simm.s32 @p1 $0x1;
	p0 =	seq.s32 s7, s2  }
0x1e: {  	s7 =	smul.u32 @!p0 $0xF7A, s2;
	p2 =	seq.s32 @!p0 s5, $0x0  }
0x1f: {  	s9 =	smul.u32 $0xF7A, s1;
	s8 =	simm.s32 @!p0 $0x1BF5;
	p2 =	por !p2, p0  }
0x20: {  	[sflag:s8] =	ssyncset.s32 @!p0 $0xFFFFF086;
	s6 =	sadd.s32 @!p0 s3, s7;
	s7 =	simm.s32 @!p0 $0x108  }
0x21: {  	s3 =	sadd.s32 s3, s9;
	s6 =	sadd.s32 @!p0 $0x88, s6;
	s7 =	simm.s32 @p2 $0x1082  }
0x22: {  	[simem:s7], [sflag:s8] =	dma.local @!p0 [hbm:s6], $0xF7A  }
0x23: {  	s9 =	sor.u32 $0xD0000000, s2;
	s6 =	simm.s32 $0x108;
	_ =	swait.ge @!p0 [sflag:s8], $0x0  }
0x24: {  	s3 =	sadd.s32 $0x88, s3;
	s6 =	simm.s32 @!p1 $0x1082;
	[sflag:s4] =	ssyncset.s32 $0xFFFFF086  }
0x25: {  	[simem:s6], [sflag:s4] =	dma.local [hbm:s3], $0xF7A  }
0x26: {  	[smem:$0x3F9B] =	sst s1;
	(tag) =	ssettag s2;
	_ =	strace s9  }
0x27: {  	s1 =	sld [smem:$0x3FAB]  }
0x28: {  	s2 =	sld [smem:$0x3FAC]  }
0x29: {  	s4 =	sld [smem:$0x3FAE]  }
0x2a: {  	p0 =	seq.s32 s5, $0x0;
	s5 =	sld [smem:$0x3FAF]  }
0x2b: {  	s6 =	sld [smem:$0x3FB0]  }
0x2c: {  	s7 =	sld [smem:$0x3FB1]  }
0x2d: {  	s3 =	simm.s32 $0x108;
	s8 =	sld [smem:$0x3FB2]  }
0x2e: {  	s3 =	simm.s32 @!p0 $0x1082;
	s9 =	sld [smem:$0x3FB3]  }
0x2f: {  	lr =	sadd.s32 s0, s3;
	s0 =	sld [smem:$0x3FAA]  }
0x30: {  	s3 =	sld [smem:$0x3FAD]  }
0x31: {  	[smem:$0x3FB6] =	sst s10  }
0x32: {  	s10 =	sld [smem:$0x3FB4];
	_ =	sdelay $0x3  }
0x33: {  	p0 =	seq.s32 s10, $0x1;
	s10 =	sld [smem:$0x3FB6];
	_ =	sdelay $0x3  }
0x34: {  	[smem:$0x3FB6] =	sst s10  }
0x35: {  	s10 =	sld [smem:$0x3FB5];
	_ =	sdelay $0x3  }
0x36: {  	p1 =	seq.s32 s10, $0x1;
	s10 =	sld [smem:$0x3FB6];
	_ =	sdelay $0x3  }
0x37: {  	[smem:$0x3FB6] =	sst s10  }
0x38: {  	s10 =	sld [smem:$0x3FB7]  }
0x39: {  	_ = 	snop;
	(pc) =	sbr.ind lr, $3  }
0x3a: {  	_ = 	snop  }
0x3b: {  	_ = 	snop  }
0x3c: {  	p2 =	seq.s32 s10, $0x1;
	s10 =	sld [smem:$0x3FB6]  }
0x3d: {  	_ =	shalt  }
0x3e: {  	_ =	shalt  }
0x3f: {  	_ =	shalt  }
0x40: {  	_ =	shalt  }
0x41: {  	_ =	shalt  }
0x42: {  	_ =	shalt  }
0x43: {  	_ =	shalt  }
0x44: {  	_ =	shalt  }
0x45: {  	_ =	shalt  }
0x46: {  	_ =	shalt  }
0x47: {  	_ =	shalt  }
0x48: {  	_ =	shalt  }
0x49: {  	_ =	shalt  }
0x4a: {  	_ =	shalt  }
0x4b: {  	_ =	shalt  }
0x4c: {  	_ =	shalt  }
0x4d: {  	_ =	shalt  }
0x4e: {  	_ =	shalt  }
0x4f: {  	_ =	shalt  }
0x50: {  	_ =	shalt  }
0x51: {  	_ =	shalt  }
0x52: {  	_ =	shalt  }
0x53: {  	_ =	shalt  }
0x54: {  	_ =	shalt  }
0x55: {  	_ =	shalt  }
0x56: {  	_ =	shalt  }
0x57: {  	_ =	shalt  }
0x58: {  	_ =	shalt  }
0x59: {  	_ =	shalt  }
0x5a: {  	_ =	shalt  }
0x5b: {  	_ =	shalt  }
0x5c: {  	_ =	shalt  }
0x5d: {  	_ =	shalt  }
0x5e: {  	_ =	shalt  }
0x5f: {  	_ =	shalt  }
0x60: {  	_ =	shalt  }
0x61: {  	_ =	shalt  }
0x62: {  	_ =	shalt  }
0x63: {  	_ =	shalt  }
0x64: {  	_ =	shalt  }
0x65: {  	_ =	shalt  }
0x66: {  	_ =	shalt  }
0x67: {  	_ =	shalt  }
0x68: {  	_ =	shalt  }
0x69: {  	_ =	shalt  }
0x6a: {  	_ =	shalt  }
0x6b: {  	_ =	shalt  }
0x6c: {  	_ =	shalt  }
0x6d: {  	_ =	shalt  }
0x6e: {  	_ =	shalt  }
0x6f: {  	_ =	shalt  }
0x70: {  	_ =	shalt  }
0x71: {  	_ =	shalt  }
0x72: {  	_ =	shalt  }
0x73: {  	_ =	shalt  }
0x74: {  	_ =	shalt  }
0x75: {  	_ =	shalt  }
0x76: {  	_ =	shalt  }
0x77: {  	_ =	shalt  }
0x78: {  	_ =	shalt  }
0x79: {  	_ =	shalt  }
0x7a: {  	_ =	shalt  }
0x7b: {  	_ =	shalt  }
0x7c: {  	_ =	shalt  }
0x7d: {  	_ =	shalt  }
0x7e: {  	_ =	shalt  }
0x7f: {  	_ =	shalt  }
0x80: {  	_ =	shalt  }
0x81: {  	_ =	shalt  }
0x82: {  	_ =	shalt  }
0x83: {  	_ =	shalt  }
0x84: {  	_ =	shalt  }
0x85: {  	_ =	shalt  }
0x86: {  	_ =	shalt  }
0x87: {  	_ =	shalt  }
.Lfunc_end0:
.L_simem_size_0:
called_computation.3_lowered:
.L_overlay_start_0:
0x88: {  	s2 =	sld [smem:$0x3FD9]  }
0x89: {  	s3 =	sld [smem:$0x3FFE];
	_ =	sdelay $0x1  }
0x8a: {  	s1 =	srdreg.scid  }
0x8b: {  	s0 =	sand.u32 $0x1, s1  }
0x8c: {  	s17 =	sshll.u32 s0, $0xA;
	s2 =	sadd.s32 s3, s2  }
0x8d: {  	s2 =	sadd.s32 s2, s17  }
0x8e: {  	[smem:$0x3FC2] =	sst s2  }
0x8f: {  	_ = 	snop  }
0x90: {  	s18 =	sld [smem:$0x3FC7]  }
0x91: {  	s4 =	sld [smem:$0x3FC6];
	(tm) =	ssettm $0x1  }
0x92: {  	s19 =	sld [smem:$0x3FFB];
	_ =	sdelay $0x3  }
0x93: {  	_ =	strace s19  }
0x94: {  	s2 =	sld [smem:$0x3FFC];
	_ =	sdelay $0x3  }
0x95: {  	_ =	strace s2  }
0x96: {  	s2 =	sld [smem:$0x3FFD];
	_ =	sdelay $0x3  }
0x97: {  	_ =	strace s2  }
0x98: {  	_ =	strace $0x8FFFFFFF  }
0x99: {  	s20 =	sld [smem:$0x3FDB];
	_ =	sdelay $0x1  }
0x9a: {  	s5 =	simm.s32 $_scs_section_size  }
0x9b: {  	s6 =	simm.s32 $_size__tile_overlayer_lowered;
	s7 =	simm.s32 $_tile_overlayer_lowered  }
0x9c: {  	s8 =	simm.s32 $0x1BFF;
	s21 =	sshll.u32 s7, $0x1;
	s5 =	sadd.s32 s5, s20  }
0x9d: {  	s22 =	simm.s32 $0x0;
	s6 =	sshll.u32 s6, $0x1;
	s7 =	sadd.s32 s21, s5  }
0x9e: {  	[timem:s22], [sflag:s8] =	dma.local [hbm:s7], s6  }
0x9f: {  	_ =	swait.ge [sflag:s8], s6  }
0xa0: {  	s6 =	ssub.s32 $0x0, s6;
	[sflag:s8] =	ssyncset.done $0x0  }
0xa1: {  	[sflag:s8] =	ssyncadd.s32 s6;
	_ =	sdelay $0x1  }
0xa2: {  	s23 =	simm.s32 $0x1B8B  }
0xa3: {  	_ =	swait.ge [sflag:s23], $0x1  }
0xa4: {  	[sflag:s23] =	ssyncset.done $0x0  }
0xa5: {  	[sflag:s23] =	ssyncadd.s32 $0xFFFFFFFF  }
0xa6: {  	s6 =	sld [smem:$0x0]  }
0xa7: {  	s7 =	sand.u32 $0xFFFFFFFE, s1  }
0xa8: {  	p0 =	sne.s32 s1, s7  }
0xa9: {  	s7 =	sshll.u32 @p0 s7, $0xE  }
0xaa: {  	s7 =	sadd.s32 @p0 $0x11B8D, s7;
	s8 =	sshll.u32 @p0 s6, $0x11  }
0xab: {  	s7 =	sor.u32 @p0 s8, s7  }
0xac: {  	[sflag:s7] =	ssyncadd.remote.s32 @p0 $0x1;
	_ =	sdelay $0x1  }
0xad: {  	s7 =	simm.s32 @p0 $0x1B8D  }
0xae: {  	_ =	swait.eq @p0 [sflag:s7], $0x1  }
0xaf: {  	[sflag:s7] =	ssyncadd.s32 @p0 $0xFFFFFFFF  }
0xb0: {  	s8 =	sshll.u32 @!p0 s1, $0xE  }
0xb1: {  	s8 =	sor.u32 @!p0 $0x4000, s8;
	s7 =	simm.s32 @!p0 $0x1B8D  }
0xb2: {  	s6 =	sshll.u32 @!p0 s6, $0x11;
	s8 =	sadd.s32 @!p0 $0x11B8D, s8;
	_ =	swait.eq @!p0 [sflag:s7], $0x1  }
0xb3: {  	s6 =	sor.u32 @!p0 s6, s8;
	[sflag:s7] =	ssyncadd.s32 @!p0 $0xFFFFFFFF  }
0xb4: {  	s25 =	simm.s32 $0x1B8E;
	s24 =	sld [smem:$0x3FFE];
	[sflag:s6] =	ssyncadd.remote.s32 @!p0 $0x1  }
0xb5: {  	s26 =	simm.s32 $execute0_lowered;
	[smem:$0x3FD2] =	sst s25  }
0xb6: {  	s7 =	sshll.u32 s26, $0x1;
	_ =	strace $0x8000004F;
	[dreg:$0x1] =	wrdreg $0xFFFFFFFF  }
0xb7: {  	s28 =	simm.s32 $_size_execute0_lowered;
	s5 =	sadd.s32 s5, s7;
	[dreg:$0x0] =	wrdreg $0x0  }
0xb8: {  	s7 =	sshll.u32 s28, $0x1;
	[dreg:$0x2] =	wrdreg s5  }
0xb9: {  	[dreg:$0x3] =	wrdreg s7  }
0xba: {  	[dreg:$0x4] =	wrdreg $0xC0  }
0xbb: {  	_ =	task [dreg:s22], $0x5FFFF  }
0xbc: {  	[dreg:$0x1] =	wrdreg $0xFFFFFFFF  }
0xbd: {  	[dreg:$0x0] =	wrdreg $0x60  }
0xbe: {  	[dreg:$0x2] =	wrdreg s24  }
0xbf: {  	[dreg:$0x3] =	wrdreg s18  }
0xc0: {  	[dreg:$0x4] =	wrdreg s4  }
0xc1: {  	[dreg:$0x5] =	wrdreg $0xC  }
0xc2: {  	_ =	task.clear_ibuf [dreg:s22], $0x6FFFF;
	_ =	strace $0x9000004F  }
0xc3: {  	s29 =	simm.s32 $0xC;
	_ =	strace $0x80000051  }
0xc4: {  	_ =	swait.ge [sflag:s29], $0x1  }
0xc5: {  	[sflag:s29] =	ssyncadd.s32 $0xFFFFFFFF  }
0xc6: {  	_ =	strace $0x90000051  }
0xc7: {  	_ =	sfence  }
0xc8: {  	s30 =	sld [smem:$0x0];
	_ =	sdelay $0x2  }
0xc9: {  	s31 =	sshll.u32 s1, $0xD;
	s1 =	sshrl.u32 s1, $0x2  }
0xca: {  	s4 =	sand.u32 $0x4000, s31;
	s1 =	sadd.s32 s1, s30  }
0xcb: {  	s0 =	sor.u32 s4, s0;
	s1 =	sshll.u32 s1, $0x11  }
0xcc: {  	s0 =	sor.u32 s1, s0  }
0xcd: {  	s0 =	sadd.s32 $0x8F2B, s0  }
0xce: {  	[sflag:s0] =	ssyncadd.remote.s32 $0x1  }
0xcf: {  	_ =	sfence.sel $0xFFFF  }
0xd0: {  	[dreg:$0x0] =	wrdreg $0xFFFFFFFF;
	(pc) =	sbr.abs _section_cstart, $3  }
0xd1: {  	[dreg:$0x1] =	wrdreg $0xFFFFFFFF  }
0xd2: {  	_ =	task.clear_ibuf [dreg:s22], $0x2FFFF;
	_ =	strace $0x9FFFFFFF  }
0xd3: {  	(tm) =	ssettm $0x7FFFFFFF  }
tec
execute0_lowered:
.L_overlay_start_1:
0x0: {  	(tag) =	ssettag $0x1  }
0x1: {  	s1 =	srdreg.scid;
	s0 =	stileid.u32  }
0x2: {  	s12 =	rddreg [dreg:$0x0];
	s14 =	sand.u32 $0x1, s1;
	s31 =	sshll.u32 s0, $0x1  }
0x3: {  	s2 =	rddreg [dreg:$0x1];
	s13 =	sor.u32 s14, s31  }
0x4: {  	s3 =	rddreg [dreg:$0x2];
	s4 =	simm.s32 $0x0;
	s5 =	sshll.u32 s13, $0x4  }
0x5: {  	s6 =	simm.s32 $0x5;
	[smem:$0x7FF] =	sst s4;
	s7 =	sadd.s32 s5, s12  }
0x6: {  	s1 =	rddreg [dreg:$0x3];
	_ =	strace $0x80000050;
	s5 =	sadd.s32 $0x14A00, s7  }
0x7: {  	[tilespmem:s4], [sflag:$0x5] =	stream.linear.gather [hbm4b:s5+s4], $0x80, $0x38;
	[tilespmem:$0x8100] =	vst v63  }
0x8: {  	_ =	swait.ge [sflag:s6], $0x80  }
0x9: {  	[sflag:s6] =	ssyncset.done $0x0  }
0xa: {  	s8 =	simm.s32 $0x80;
	s7 =	sadd.s32 $0x14800, s7;
	[sflag:s6] =	ssyncadd.s32 $0xFFFFFF80  }
0xb: {  	[tilespmem:s8], [sflag:$0x5] =	stream.linear.gather [hbm4b:s7+s4], $0x80, $0x38;
	[tilespmem:$0x8100] =	vst v63  }
0xc: {  	_ =	swait.ge [sflag:s6], $0x80  }
0xd: {  	[sflag:s6] =	ssyncset.done $0x0  }
0xe: {  	s9 =	simm.s32 $0x100;
	[sflag:s6] =	ssyncadd.s32 $0xFFFFFF80  }
0xf: {  	[tilespmem:s9], [sflag:$0x1] =	stream.indirect.gather [hbm4b:s2+s8], $0x80, s4, s8, $0xb8;
	[tilespmem:$0x8100] =	vst v63  }
0x10: {  	s10 =	simm.s32 $0x4100;
	s11 =	simm.s32 $0x1  }
0x11: {  	[tilespmem:s10], [sflag:$0x2] =	stream.indirect.gather [hbm4b:s3+s8], $0x80, s8, s8, $0xb8;
	[tilespmem:$0x8100] =	vst v63  }
0x12: {  	s16 =	ssub.s32 $0x2, s14;
	s13 =	sshll.u32 s13, $0xB;
	_ =	swait.ge [sflag:s11], $0x4000  }
0x13: {  	s17 =	sshrl.u32 s16, $0x1;
	s15 =	sadd.s32 s13, s12;
	[sflag:s11] =	ssyncset.done $0x0  }
0x14: {  	s13 =	simm.s32 $0x2;
	s12 =	sadd.s32 $0x54C00, s15;
	[sflag:s11] =	ssyncadd.s32 $0xFFFFC000  }
0x15: {  	[hbm4b:s12+s4] =	stream.linear.scatter [tilespmem:s9], [sflag:$0x3], $0x4000, $0x38;
	[tilespmem:$0x8100] =	vst v63  }
0x16: {  	s16 =	ssub.s32 s16, s17;
	_ =	swait.ge [sflag:s13], $0x4000  }
0x17: {  	s14 =	sadd.s32 $0x64C00, s15;
	s17 =	smax.u32 s16, $0x1;
	[sflag:s13] =	ssyncset.done $0x0  }
0x18: {  	s15 =	simm.s32 $0x3;
	p0 =	sne.s32 s17, $0x1;
	[sflag:s13] =	ssyncadd.s32 $0xFFFFC000  }
0x19: {  	[hbm4b:s14+s4] =	stream.linear.scatter [tilespmem:s10], [sflag:$0x4], $0x4000, $0x38;
	[tilespmem:$0x8100] =	vst v63  }
.Ltmp0:
0x1a: {  	_ =	swait.ge [sflag:s15], $0x4000;
	(pc) =	sbr.rel @!p0 .LBB2_2-.Ltmp0, $4  }
0x1b: {  	[sflag:s15] =	ssyncset.done $0x0  }
0x1c: {  	s16 =	simm.s32 $0x4;
	[sflag:s15] =	ssyncadd.s32 $0xFFFFC000  }
0x1d: {  	_ =	swait.ge [sflag:s16], $0x4000  }
0x1e: {  	s17 =	sadd.s32 $0xFFFFFFFF, s17;
	[sflag:s16] =	ssyncset.done $0x0  }
.LBB2_1:
0x1f: {  	p0 =	sne.s32 s17, $0x1;
	s17 =	sadd.s32 $0xFFFFFFFF, s17;
	[sflag:s16] =	ssyncadd.s32 $0xFFFFC000  }
0x20: {  	[tilespmem:s4], [sflag:$0x5] =	stream.linear.gather [hbm4b:s5+s4], $0x80, $0x38;
	[tilespmem:$0x8100] =	vst v63  }
0x21: {  	_ =	swait.ge [sflag:s6], $0x80  }
0x22: {  	[sflag:s6] =	ssyncset.done $0x0  }
0x23: {  	[sflag:s6] =	ssyncadd.s32 $0xFFFFFF80  }
0x24: {  	[tilespmem:s8], [sflag:$0x5] =	stream.linear.gather [hbm4b:s7+s4], $0x80, $0x38;
	[tilespmem:$0x8100] =	vst v63  }
0x25: {  	_ =	swait.ge [sflag:s6], $0x80  }
0x26: {  	[sflag:s6] =	ssyncset.done $0x0  }
0x27: {  	[sflag:s6] =	ssyncadd.s32 $0xFFFFFF80  }
0x28: {  	[tilespmem:s9], [sflag:$0x1] =	stream.indirect.gather [hbm4b:s2+s8], $0x80, s4, s8, $0xb8;
	[tilespmem:$0x8100] =	vst v63  }
0x29: {  	_ = 	snop  }
0x2a: {  	[tilespmem:s10], [sflag:$0x2] =	stream.indirect.gather [hbm4b:s3+s8], $0x80, s8, s8, $0xb8;
	[tilespmem:$0x8100] =	vst v63  }
0x2b: {  	_ =	swait.ge [sflag:s11], $0x4000  }
0x2c: {  	[sflag:s11] =	ssyncset.done $0x0  }
0x2d: {  	[sflag:s11] =	ssyncadd.s32 $0xFFFFC000  }
0x2e: {  	[hbm4b:s12+s4] =	stream.linear.scatter [tilespmem:s9], [sflag:$0x3], $0x4000, $0x38;
	[tilespmem:$0x8100] =	vst v63  }
0x2f: {  	_ =	swait.ge [sflag:s13], $0x4000  }
0x30: {  	[sflag:s13] =	ssyncset.done $0x0  }
0x31: {  	[sflag:s13] =	ssyncadd.s32 $0xFFFFC000  }
0x32: {  	[hbm4b:s14+s4] =	stream.linear.scatter [tilespmem:s10], [sflag:$0x4], $0x4000, $0x38;
	[tilespmem:$0x8100] =	vst v63  }
.Ltmp1:
0x33: {  	_ =	swait.ge [sflag:s15], $0x4000;
	(pc) =	sbr.rel @p0 .LBB2_1-.Ltmp1, $4  }
0x34: {  	[sflag:s15] =	ssyncset.done $0x0  }
0x35: {  	[sflag:s15] =	ssyncadd.s32 $0xFFFFC000  }
0x36: {  	_ =	swait.ge [sflag:s16], $0x4000  }
0x37: {  	[sflag:s16] =	ssyncset.done $0x0  }
.LBB2_2:
0x38: {  	[sflag:s16] =	ssyncadd.s32 $0xFFFFC000  }
0x39: {  	_ =	sfence.sel $0x180000  }
0x3a: {  	[bflag:$0x0] =	sbarrier.arrive $0xFFFF  }
0x3b: {  	p0 =	sne.s32 s0, $0x0;
	_ =	strace $0x90000050  }
0x3c: {  	s0 =	sadd.s32 @!p0 $0x100000, s1;
	[bflag:$0x2] =	sbarrier.arrive $0xFFFF  }
0x3d: {  	[sflag:s0] =	ssyncadd.tile.s32 @!p0 $0x1;
	_ =	shalt  }
.Lfunc_end2:
_tile_overlayer_lowered:
.L_overlay_start_2:
0x3e: {  	(tag) =	ssettag $0x2  }
0x3f: {  	s0 =	rddreg [dreg:$0x0];
	s2 =	stileid.u32  }
0x40: {  	s1 =	rddreg [dreg:$0x1];
	p0 =	sne.s32 s2, $0x0  }
0x41: {  	s3 =	rddreg [dreg:$0x2];
	[bflag:$0x3] =	sbarrier.arrive $0xFFFF;
	s2 =	simm.s32 @!p0 $0x1C05  }
0x42: {  	[timem:s3], [sflag:s2] =	dma.local @!p0 [hbm:s0], s1  }
0x43: {  	s0 =	simm.s32 @!p0 $0x5  }
0x44: {  	_ =	swait.ge @!p0 [sflag:s0], s1  }
0x45: {  	s1 =	ssub.s32 @!p0 $0x0, s1;
	[sflag:s0] =	ssyncset.done @!p0 $0x0  }
0x46: {  	[sflag:s0] =	ssyncadd.s32 @!p0 s1  }
0x47: {  	[bflag:$0x3] =	sbarrier.arrive $0xFFFF  }
0x48: {  	_ =	shalt  }

</sc_bundles>
